<compile_context>
chip_gen: v7x
topology: tpu7x:2x2x1
jax: 0.10.2.dev20260603
libtpu: 0.0.44.dev20260713+nightly
codegen_flags: <defaults>
</compile_context>

<pallas_src>
import functools

import jax
import jax.numpy as jnp
from jax import lax
from jax.experimental import pallas as pl
from jax.experimental.pallas import tpu as pltpu
from jax.experimental.pallas import tpu_sc as plsc

MAXD = 512
D = 128
N = 10000
E = 320000

NC = 2
NS = 16
L = 16

BLK = 128
TBLK = E // BLK
BPT = TBLK // (NC * NS)
ECH = 64
NCH = BPT * BLK // ECH
W = 16
HIST = NC * NS * 320
HSL = HIST // NS

_mesh = plsc.VectorSubcoreMesh(core_axis_name="c", subcore_axis_name="s")


@functools.partial(
    pl.kernel,
    out_type=(
        jax.ShapeDtypeStruct((HIST,), jnp.int32),
        jax.ShapeDtypeStruct((HIST,), jnp.int32),
    ),
    mesh=_mesh,
    scratch_types=[
        pltpu.VMEM((2, (BPT + 1) * BLK), jnp.int32),
        pltpu.VMEM((ECH,), jnp.int32),
        pltpu.VMEM((HSL,), jnp.int32),
        pltpu.VMEM_SHARED((HIST,), jnp.int32),
        pltpu.SemaphoreType.DMA,
        pltpu.SemaphoreType.DMA,
    ],
)
def _hist_kernel(esrc, out0, out1, idx_e, ones_v, stg_v, hist_sh, semE, semS):
    s = lax.axis_index("s")
    c = lax.axis_index("c")

    t = c * NS + s
    extra = t < TBLK - NC * NS * BPT
    ebase = pl.multiple_of((t * BPT + jnp.minimum(t, 4)) * BLK, BLK)
    edge_cp = pltpu.async_copy(
        esrc.at[:, pl.ds(ebase, BPT * BLK)],
        idx_e.at[:, pl.ds(0, BPT * BLK)], semE)

    @pl.when(extra)
    def _():
        pltpu.async_copy(
            esrc.at[:, pl.ds(ebase + BPT * BLK, BLK)],
            idx_e.at[:, pl.ds(BPT * BLK, BLK)], semE)

    for k in range(ECH // L):
        ones_v[pl.ds(k * L, L)] = jnp.ones((L,), jnp.int32)
    for k in range(HSL // L):
        stg_v[pl.ds(k * L, L)] = jnp.zeros((L,), jnp.int32)

    h0 = pl.multiple_of(s * HSL, 8)
    pltpu.sync_copy(stg_v, hist_sh.at[pl.ds(h0, HSL)])
    edge_cp.wait()

    @pl.when(extra)
    def _():
        pltpu.make_async_copy(
            esrc.at[:, pl.ds(ebase + BPT * BLK, BLK)],
            idx_e.at[:, pl.ds(BPT * BLK, BLK)], semE).wait()

    plsc.subcore_barrier()

    def scatter_body(j, carry):
        j0 = pl.multiple_of(j * ECH, 8)
        pltpu.async_copy(ones_v, hist_sh.at[idx_e.at[0, pl.ds(j0, ECH)]], semS,
                         add=True)

        @pl.when(j >= W)
        def _():
            pltpu.make_async_copy(
                ones_v, hist_sh.at[idx_e.at[0, pl.ds(0, ECH)]], semS).wait()

        return carry

    lax.fori_loop(0, NCH, scatter_body, 0)

    @pl.when(extra)
    def _():
        for k in range(2):
            jx = pl.multiple_of(NCH * ECH + k * ECH, 8)
            pltpu.async_copy(ones_v, hist_sh.at[idx_e.at[0, pl.ds(jx, ECH)]],
                             semS, add=True)
        for k in range(2):
            pltpu.make_async_copy(
                ones_v, hist_sh.at[idx_e.at[0, pl.ds(0, ECH)]], semS).wait()

    def drain_body(j, carry):
        pltpu.make_async_copy(
            ones_v, hist_sh.at[idx_e.at[0, pl.ds(0, ECH)]], semS).wait()
        return carry

    lax.fori_loop(0, W, drain_body, 0)
    plsc.subcore_barrier()

    pltpu.sync_copy(hist_sh.at[pl.ds(h0, HSL)], stg_v)

    @pl.when(c == 0)
    def _():
        pltpu.sync_copy(stg_v, out0.at[pl.ds(h0, HSL)])

    @pl.when(c == 1)
    def _():
        pltpu.sync_copy(stg_v, out1.at[pl.ds(h0, HSL)])


RB = 1024
G = (N + RB - 1) // RB
SB = RB // 128


def _tc_body(d0_ref, d1_ref, zb_ref, x_ref, out_ref):
    d = jnp.minimum(d0_ref[0] + d1_ref[0], MAXD - 1)
    rdiv = lax.broadcasted_iota(jnp.int32, (RB, 128), 0) // 128
    t = jnp.zeros((RB, 128), jnp.int32)
    for j in range(SB):
        t = jnp.where(rdiv == j, jnp.broadcast_to(d[j:j + 1, :], (RB, 128)), t)
    lane = lax.broadcasted_iota(jnp.int32, (RB, 128), 1)
    row = lax.broadcasted_iota(jnp.int32, (RB, 128), 0)
    dcol = jnp.sum(jnp.where(lane == row % 128, t, 0), axis=1, keepdims=True)
    one_hot = (dcol == lax.broadcasted_iota(jnp.int32, (RB, MAXD), 1))
    e_bf = one_hot.astype(jnp.bfloat16)
    zsel = lax.dot(e_bf, zb_ref[...], preferred_element_type=jnp.float32)
    out_ref[...] = x_ref[...] + zsel


_gather_add = pl.pallas_call(
    _tc_body,
    grid=(G,),
    in_specs=[
        pl.BlockSpec((1, SB, 128), lambda i: (i, 0, 0)),
        pl.BlockSpec((1, SB, 128), lambda i: (i, 0, 0)),
        pl.BlockSpec((MAXD, D), lambda i: (0, 0)),
        pl.BlockSpec((RB, D), lambda i: (i, 0)),
    ],
    out_specs=pl.BlockSpec((RB, D), lambda i: (i, 0)),
    out_shape=jax.ShapeDtypeStruct((N, D), jnp.float32),
    compiler_params=pltpu.CompilerParams(
        dimension_semantics=("parallel",)),
)


def kernel(x, edge_index, z):
    h0, h1 = _hist_kernel(edge_index)
    d0 = h0.reshape(G, SB, 128)
    d1 = h1.reshape(G, SB, 128)
    zb = z.astype(jnp.bfloat16)
    return _gather_add(d0, d1, zb, x)

# --- scband reference (transcript-rebuilt; emitter-appended) ---
"""Pipeline reference for scband-centrality-encoding-8727373545992 (READ-ONLY COPY).

The authoritative reference and input builder live on the scoring server;
editing this copy changes nothing except your own understanding.
"""

import jax, jax.numpy as jnp
import numpy as np

MAX_DEGREE = 512
NODE_DIM = 128
N_NODES = 10000
N_EDGES = 320000


def setup_inputs(seed: int = 0) -> dict:
    key = jax.random.key(seed)
    k1, k2, k3 = jax.random.split(key, 3)
    x = jax.random.normal(k1, (N_NODES, NODE_DIM), dtype=jnp.float32)
    edge_index = jax.random.randint(k2, (2, N_EDGES), 0, N_NODES, dtype=jnp.int32)
    # learned parameter: degree-centrality embedding table z of shape (max_degree, node_dim)
    z = jax.random.normal(k3, (MAX_DEGREE, NODE_DIM), dtype=jnp.float32)
    return {"x": x, "edge_index": edge_index, "z": z}


def reference(x, edge_index, z):
    num_nodes = x.shape[0]
    # degree(index=edge_index[0], num_nodes) -> histogram / bincount over source nodes
    deg = jnp.bincount(edge_index[0], length=num_nodes)
    # decrease_to_max_value(deg, max_degree - 1)
    deg = jnp.minimum(deg, MAX_DEGREE - 1)
    # x += z[deg]  (gather degree embeddings and add)
    out = x + jnp.take(z, deg, axis=0)
    return out

if __name__ == "__main__":
    import jax
    _d = setup_inputs()
    print(jax.jit(kernel)(*tuple(_d.values())))

</pallas_src>

<mosaic_0001>
#map = affine_map<(d0, d1) -> (0, 0)>
#map1 = affine_map<(d0, d1) -> (0)>
module attributes {stable_mosaic.version = 14 : i64} {
  func.func @_hist_kernel(%arg0: i32, %arg1: i32, %arg2: memref<2x320000xi32, #tpu.memory_space<hbm>>, %arg3: memref<10240xi32, #tpu.memory_space<hbm>>, %arg4: memref<10240xi32, #tpu.memory_space<hbm>>, %arg5: memref<2x10112xi32, #tpu.memory_space<vmem>>, %arg6: memref<64xi32, #tpu.memory_space<vmem>>, %arg7: memref<640xi32, #tpu.memory_space<vmem>>, %arg8: memref<10240xi32, #tpu.memory_space<vmem_shared>>, %arg9: memref<!tpu.dma_semaphore, #tpu.memory_space<semaphore_mem>>, %arg10: memref<!tpu.dma_semaphore, #tpu.memory_space<semaphore_mem>>) attributes {dimension_semantics = [#tpu.dimension_semantics<core_parallel>, #tpu.dimension_semantics<subcore_parallel>], iteration_bounds = array<i64: 2, 16>, scalar_prefetch = 0 : i64, scratch_operands = 6 : i64, tpu.core_type = #tpu.core_type<sc_vector_subcore>, window_params = [{transform_indices = #map}, {transform_indices = #map1}, {transform_indices = #map1}]} {
    %mul3A = arith.constant 16 : i32
    %mul3A_0 = arith.muli %arg0, %mul3A : i32
    %add3A = arith.addi %mul3A_0, %arg1 : i32
    %lt3A = arith.constant 4 : i32
    %lt3A_1 = arith.cmpi slt, %add3A, %lt3A : i32
    %mul3A_2 = arith.constant 78 : i32
    %mul3A_3 = arith.muli %add3A, %mul3A_2 : i32
    %min3A = arith.constant 4 : i32
    %min3A_4 = arith.minsi %add3A, %min3A : i32
    %add3A_5 = arith.addi %mul3A_3, %min3A_4 : i32
    %mul3A_6 = arith.constant 128 : i32
    %mul3A_7 = arith.muli %add3A_5, %mul3A_6 : i32
    %multiple_of3A = tpu.assume_multiple %mul3A_7, 128 : i32
    %dma_start3A = arith.constant 0 : i32
    %dma_start3A_8 = arith.constant 0 : i32
    %dma_start3A_9 = tpu.memref_slice %arg5[%dma_start3A, %dma_start3A_8] : memref<2x10112xi32, #tpu.memory_space<vmem>> -> memref<2x9984xi32, #tpu.memory_space<vmem>>
    %dma_start3A_10 = arith.constant 0 : i32
    %dma_start3A_11 = tpu.memref_slice %arg2[%dma_start3A_10, %multiple_of3A] : memref<2x320000xi32, #tpu.memory_space<hbm>> -> memref<2x9984xi32, #tpu.memory_space<hbm>>
    %dma_start3A_12 = arith.constant 0 : i32
    %dma_start3A_13 = arith.constant 0 : i32
    %dma_start3A_14 = tpu.memref_slice %arg5[%dma_start3A_12, %dma_start3A_13] : memref<2x10112xi32, #tpu.memory_space<vmem>> -> memref<2x9984xi32, #tpu.memory_space<vmem>>
    %dma_start3A_15 = arith.constant 0 : i32
    %dma_start3A_16 = tpu.memref_slice %arg2[%dma_start3A_15, %multiple_of3A] : memref<2x320000xi32, #tpu.memory_space<hbm>> -> memref<2x9984xi32, #tpu.memory_space<hbm>>
    tpu.enqueue_dma source(%dma_start3A_16 : memref<2x9984xi32, #tpu.memory_space<hbm>>) target(%dma_start3A_14 : memref<2x9984xi32, #tpu.memory_space<vmem>>) target_semaphore(%arg9 : memref<!tpu.dma_semaphore, #tpu.memory_space<semaphore_mem>>)
    %convert_element_type3A = arith.extui %lt3A_1 : i1 to i32
    %cond3A = arith.constant 0 : i32
    %cond3A_17 = arith.cmpi ne, %convert_element_type3A, %cond3A : i32
    scf.if %cond3A_17 {
      %add3A_319 = arith.constant 9984 : i32
      %add3A_320 = arith.addi %multiple_of3A, %add3A_319 : i32
      %dma_start3A_321 = arith.constant 0 : i32
      %dma_start3A_322 = arith.constant 9984 : i32
      %dma_start3A_323 = tpu.memref_slice %arg5[%dma_start3A_321, %dma_start3A_322] : memref<2x10112xi32, #tpu.memory_space<vmem>> -> memref<2x128xi32, #tpu.memory_space<vmem>>
      %dma_start3A_324 = arith.constant 0 : i32
      %dma_start3A_325 = tpu.memref_slice %arg2[%dma_start3A_324, %add3A_320] : memref<2x320000xi32, #tpu.memory_space<hbm>> -> memref<2x128xi32, #tpu.memory_space<hbm>>
      %dma_start3A_326 = arith.constant 0 : i32
      %dma_start3A_327 = arith.constant 9984 : i32
      %dma_start3A_328 = tpu.memref_slice %arg5[%dma_start3A_326, %dma_start3A_327] : memref<2x10112xi32, #tpu.memory_space<vmem>> -> memref<2x128xi32, #tpu.memory_space<vmem>>
      %dma_start3A_329 = arith.constant 0 : i32
      %dma_start3A_330 = tpu.memref_slice %arg2[%dma_start3A_329, %add3A_320] : memref<2x320000xi32, #tpu.memory_space<hbm>> -> memref<2x128xi32, #tpu.memory_space<hbm>>
      tpu.enqueue_dma source(%dma_start3A_330 : memref<2x128xi32, #tpu.memory_space<hbm>>) target(%dma_start3A_328 : memref<2x128xi32, #tpu.memory_space<vmem>>) target_semaphore(%arg9 : memref<!tpu.dma_semaphore, #tpu.memory_space<semaphore_mem>>)
    } else {
    }
    %broadcast_in_dim3A = arith.constant 1 : i32
    %broadcast_in_dim3A_18 = vector.broadcast %broadcast_in_dim3A : i32 to vector<16xi32>
    %swap3A = arith.constant 0 : index
    %swap3A_19 = tpu.vector_load %arg6[%swap3A] {strides = array<i32>} : memref<64xi32, #tpu.memory_space<vmem>>, vector<16xi32>,
    %swap3A_20 = vector.shape_cast %swap3A_19 : vector<16xi32> to vector<16xi32>
    %swap3A_21 = vector.shape_cast %broadcast_in_dim3A_18 : vector<16xi32> to vector<16xi32>
    tpu.vector_store %arg6[%swap3A], %swap3A_21 {strides = array<i32>} : memref<64xi32, #tpu.memory_space<vmem>>, vector<16xi32>,
    %broadcast_in_dim3A_22 = arith.constant 1 : i32
    %broadcast_in_dim3A_23 = vector.broadcast %broadcast_in_dim3A_22 : i32 to vector<16xi32>
    %swap3A_24 = arith.constant 16 : index
    %swap3A_25 = tpu.vector_load %arg6[%swap3A_24] {strides = array<i32>} : memref<64xi32, #tpu.memory_space<vmem>>, vector<16xi32>,
    %swap3A_26 = vector.shape_cast %swap3A_25 : vector<16xi32> to vector<16xi32>
    %swap3A_27 = vector.shape_cast %broadcast_in_dim3A_23 : vector<16xi32> to vector<16xi32>
    tpu.vector_store %arg6[%swap3A_24], %swap3A_27 {strides = array<i32>} : memref<64xi32, #tpu.memory_space<vmem>>, vector<16xi32>,
    %broadcast_in_dim3A_28 = arith.constant 1 : i32
    %broadcast_in_dim3A_29 = vector.broadcast %broadcast_in_dim3A_28 : i32 to vector<16xi32>
    %swap3A_30 = arith.constant 32 : index
    %swap3A_31 = tpu.vector_load %arg6[%swap3A_30] {strides = array<i32>} : memref<64xi32, #tpu.memory_space<vmem>>, vector<16xi32>,
    %swap3A_32 = vector.shape_cast %swap3A_31 : vector<16xi32> to vector<16xi32>
    %swap3A_33 = vector.shape_cast %broadcast_in_dim3A_29 : vector<16xi32> to vector<16xi32>
    tpu.vector_store %arg6[%swap3A_30], %swap3A_33 {strides = array<i32>} : memref<64xi32, #tpu.memory_space<vmem>>, vector<16xi32>,
    %broadcast_in_dim3A_34 = arith.constant 1 : i32
    %broadcast_in_dim3A_35 = vector.broadcast %broadcast_in_dim3A_34 : i32 to vector<16xi32>
    %swap3A_36 = arith.constant 48 : index
    %swap3A_37 = tpu.vector_load %arg6[%swap3A_36] {strides = array<i32>} : memref<64xi32, #tpu.memory_space<vmem>>, vector<16xi32>,
    %swap3A_38 = vector.shape_cast %swap3A_37 : vector<16xi32> to vector<16xi32>
    %swap3A_39 = vector.shape_cast %broadcast_in_dim3A_35 : vector<16xi32> to vector<16xi32>
    tpu.vector_store %arg6[%swap3A_36], %swap3A_39 {strides = array<i32>} : memref<64xi32, #tpu.memory_space<vmem>>, vector<16xi32>,
    %broadcast_in_dim3A_40 = arith.constant 0 : i32
    %broadcast_in_dim3A_41 = vector.broadcast %broadcast_in_dim3A_40 : i32 to vector<16xi32>
    %swap3A_42 = arith.constant 0 : index
    %swap3A_43 = tpu.vector_load %arg7[%swap3A_42] {strides = array<i32>} : memref<640xi32, #tpu.memory_space<vmem>>, vector<16xi32>,
    %swap3A_44 = vector.shape_cast %swap3A_43 : vector<16xi32> to vector<16xi32>
    %swap3A_45 = vector.shape_cast %broadcast_in_dim3A_41 : vector<16xi32> to vector<16xi32>
    tpu.vector_store %arg7[%swap3A_42], %swap3A_45 {strides = array<i32>} : memref<640xi32, #tpu.memory_space<vmem>>, vector<16xi32>,
    %broadcast_in_dim3A_46 = arith.constant 0 : i32
    %broadcast_in_dim3A_47 = vector.broadcast %broadcast_in_dim3A_46 : i32 to vector<16xi32>
    %swap3A_48 = arith.constant 16 : index
    %swap3A_49 = tpu.vector_load %arg7[%swap3A_48] {strides = array<i32>} : memref<640xi32, #tpu.memory_space<vmem>>, vector<16xi32>,
    %swap3A_50 = vector.shape_cast %swap3A_49 : vector<16xi32> to vector<16xi32>
    %swap3A_51 = vector.shape_cast %broadcast_in_dim3A_47 : vector<16xi32> to vector<16xi32>
    tpu.vector_store %arg7[%swap3A_48], %swap3A_51 {strides = array<i32>} : memref<640xi32, #tpu.memory_space<vmem>>, vector<16xi32>,
    %broadcast_in_dim3A_52 = arith.constant 0 : i32
    %broadcast_in_dim3A_53 = vector.broadcast %broadcast_in_dim3A_52 : i32 to vector<16xi32>
    %swap3A_54 = arith.constant 32 : index
    %swap3A_55 = tpu.vector_load %arg7[%swap3A_54] {strides = array<i32>} : memref<640xi32, #tpu.memory_space<vmem>>, vector<16xi32>,
    %swap3A_56 = vector.shape_cast %swap3A_55 : vector<16xi32> to vector<16xi32>
    %swap3A_57 = vector.shape_cast %broadcast_in_dim3A_53 : vector<16xi32> to vector<16xi32>
    tpu.vector_store %arg7[%swap3A_54], %swap3A_57 {strides = array<i32>} : memref<640xi32, #tpu.memory_space<vmem>>, vector<16xi32>,
    %broadcast_in_dim3A_58 = arith.constant 0 : i32
    %broadcast_in_dim3A_59 = vector.broadcast %broadcast_in_dim3A_58 : i32 to vector<16xi32>
    %swap3A_60 = arith.constant 48 : index
    %swap3A_61 = tpu.vector_load %arg7[%swap3A_60] {strides = array<i32>} : memref<640xi32, #tpu.memory_space<vmem>>, vector<16xi32>,
    %swap3A_62 = vector.shape_cast %swap3A_61 : vector<16xi32> to vector<16xi32>
    %swap3A_63 = vector.shape_cast %broadcast_in_dim3A_59 : vector<16xi32> to vector<16xi32>
    tpu.vector_store %arg7[%swap3A_60], %swap3A_63 {strides = array<i32>} : memref<640xi32, #tpu.memory_space<vmem>>, vector<16xi32>,
    %broadcast_in_dim3A_64 = arith.constant 0 : i32
    %broadcast_in_dim3A_65 = vector.broadcast %broadcast_in_dim3A_64 : i32 to vector<16xi32>
    %swap3A_66 = arith.constant 64 : index
    %swap3A_67 = tpu.vector_load %arg7[%swap3A_66] {strides = array<i32>} : memref<640xi32, #tpu.memory_space<vmem>>, vector<16xi32>,
    %swap3A_68 = vector.shape_cast %swap3A_67 : vector<16xi32> to vector<16xi32>
    %swap3A_69 = vector.shape_cast %broadcast_in_dim3A_65 : vector<16xi32> to vector<16xi32>
    tpu.vector_store %arg7[%swap3A_66], %swap3A_69 {strides = array<i32>} : memref<640xi32, #tpu.memory_space<vmem>>, vector<16xi32>,
    %broadcast_in_dim3A_70 = arith.constant 0 : i32
    %broadcast_in_dim3A_71 = vector.broadcast %broadcast_in_dim3A_70 : i32 to vector<16xi32>
    %swap3A_72 = arith.constant 80 : index
    %swap3A_73 = tpu.vector_load %arg7[%swap3A_72] {strides = array<i32>} : memref<640xi32, #tpu.memory_space<vmem>>, vector<16xi32>,
    %swap3A_74 = vector.shape_cast %swap3A_73 : vector<16xi32> to vector<16xi32>
    %swap3A_75 = vector.shape_cast %broadcast_in_dim3A_71 : vector<16xi32> to vector<16xi32>
    tpu.vector_store %arg7[%swap3A_72], %swap3A_75 {strides = array<i32>} : memref<640xi32, #tpu.memory_space<vmem>>, vector<16xi32>,
    %broadcast_in_dim3A_76 = arith.constant 0 : i32
    %broadcast_in_dim3A_77 = vector.broadcast %broadcast_in_dim3A_76 : i32 to vector<16xi32>
    %swap3A_78 = arith.constant 96 : index
    %swap3A_79 = tpu.vector_load %arg7[%swap3A_78] {strides = array<i32>} : memref<640xi32, #tpu.memory_space<vmem>>, vector<16xi32>,
    %swap3A_80 = vector.shape_cast %swap3A_79 : vector<16xi32> to vector<16xi32>
    %swap3A_81 = vector.shape_cast %broadcast_in_dim3A_77 : vector<16xi32> to vector<16xi32>
    tpu.vector_store %arg7[%swap3A_78], %swap3A_81 {strides = array<i32>} : memref<640xi32, #tpu.memory_space<vmem>>, vector<16xi32>,
    %broadcast_in_dim3A_82 = arith.constant 0 : i32
    %broadcast_in_dim3A_83 = vector.broadcast %broadcast_in_dim3A_82 : i32 to vector<16xi32>
    %swap3A_84 = arith.constant 112 : index
    %swap3A_85 = tpu.vector_load %arg7[%swap3A_84] {strides = array<i32>} : memref<640xi32, #tpu.memory_space<vmem>>, vector<16xi32>,
    %swap3A_86 = vector.shape_cast %swap3A_85 : vector<16xi32> to vector<16xi32>
    %swap3A_87 = vector.shape_cast %broadcast_in_dim3A_83 : vector<16xi32> to vector<16xi32>
    tpu.vector_store %arg7[%swap3A_84], %swap3A_87 {strides = array<i32>} : memref<640xi32, #tpu.memory_space<vmem>>, vector<16xi32>,
    %broadcast_in_dim3A_88 = arith.constant 0 : i32
    %broadcast_in_dim3A_89 = vector.broadcast %broadcast_in_dim3A_88 : i32 to vector<16xi32>
    %swap3A_90 = arith.constant 128 : index
    %swap3A_91 = tpu.vector_load %arg7[%swap3A_90] {strides = array<i32>} : memref<640xi32, #tpu.memory_space<vmem>>, vector<16xi32>,
    %swap3A_92 = vector.shape_cast %swap3A_91 : vector<16xi32> to vector<16xi32>
    %swap3A_93 = vector.shape_cast %broadcast_in_dim3A_89 : vector<16xi32> to vector<16xi32>
    tpu.vector_store %arg7[%swap3A_90], %swap3A_93 {strides = array<i32>} : memref<640xi32, #tpu.memory_space<vmem>>, vector<16xi32>,
    %broadcast_in_dim3A_94 = arith.constant 0 : i32
    %broadcast_in_dim3A_95 = vector.broadcast %broadcast_in_dim3A_94 : i32 to vector<16xi32>
    %swap3A_96 = arith.constant 144 : index
    %swap3A_97 = tpu.vector_load %arg7[%swap3A_96] {strides = array<i32>} : memref<640xi32, #tpu.memory_space<vmem>>, vector<16xi32>,
    %swap3A_98 = vector.shape_cast %swap3A_97 : vector<16xi32> to vector<16xi32>
    %swap3A_99 = vector.shape_cast %broadcast_in_dim3A_95 : vector<16xi32> to vector<16xi32>
    tpu.vector_store %arg7[%swap3A_96], %swap3A_99 {strides = array<i32>} : memref<640xi32, #tpu.memory_space<vmem>>, vector<16xi32>,
    %broadcast_in_dim3A_100 = arith.constant 0 : i32
    %broadcast_in_dim3A_101 = vector.broadcast %broadcast_in_dim3A_100 : i32 to vector<16xi32>
    %swap3A_102 = arith.constant 160 : index
    %swap3A_103 = tpu.vector_load %arg7[%swap3A_102] {strides = array<i32>} : memref<640xi32, #tpu.memory_space<vmem>>, vector<16xi32>,
    %swap3A_104 = vector.shape_cast %swap3A_103 : vector<16xi32> to vector<16xi32>
    %swap3A_105 = vector.shape_cast %broadcast_in_dim3A_101 : vector<16xi32> to vector<16xi32>
    tpu.vector_store %arg7[%swap3A_102], %swap3A_105 {strides = array<i32>} : memref<640xi32, #tpu.memory_space<vmem>>, vector<16xi32>,
    %broadcast_in_dim3A_106 = arith.constant 0 : i32
    %broadcast_in_dim3A_107 = vector.broadcast %broadcast_in_dim3A_106 : i32 to vector<16xi32>
    %swap3A_108 = arith.constant 176 : index
    %swap3A_109 = tpu.vector_load %arg7[%swap3A_108] {strides = array<i32>} : memref<640xi32, #tpu.memory_space<vmem>>, vector<16xi32>,
    %swap3A_110 = vector.shape_cast %swap3A_109 : vector<16xi32> to vector<16xi32>
    %swap3A_111 = vector.shape_cast %broadcast_in_dim3A_107 : vector<16xi32> to vector<16xi32>
    tpu.vector_store %arg7[%swap3A_108], %swap3A_111 {strides = array<i32>} : memref<640xi32, #tpu.memory_space<vmem>>, vector<16xi32>,
    %broadcast_in_dim3A_112 = arith.constant 0 : i32
    %broadcast_in_dim3A_113 = vector.broadcast %broadcast_in_dim3A_112 : i32 to vector<16xi32>
    %swap3A_114 = arith.constant 192 : index
    %swap3A_115 = tpu.vector_load %arg7[%swap3A_114] {strides = array<i32>} : memref<640xi32, #tpu.memory_space<vmem>>, vector<16xi32>,
    %swap3A_116 = vector.shape_cast %swap3A_115 : vector<16xi32> to vector<16xi32>
    %swap3A_117 = vector.shape_cast %broadcast_in_dim3A_113 : vector<16xi32> to vector<16xi32>
    tpu.vector_store %arg7[%swap3A_114], %swap3A_117 {strides = array<i32>} : memref<640xi32, #tpu.memory_space<vmem>>, vector<16xi32>,
    %broadcast_in_dim3A_118 = arith.constant 0 : i32
    %broadcast_in_dim3A_119 = vector.broadcast %broadcast_in_dim3A_118 : i32 to vector<16xi32>
    %swap3A_120 = arith.constant 208 : index
    %swap3A_121 = tpu.vector_load %arg7[%swap3A_120] {strides = array<i32>} : memref<640xi32, #tpu.memory_space<vmem>>, vector<16xi32>,
    %swap3A_122 = vector.shape_cast %swap3A_121 : vector<16xi32> to vector<16xi32>
    %swap3A_123 = vector.shape_cast %broadcast_in_dim3A_119 : vector<16xi32> to vector<16xi32>
    tpu.vector_store %arg7[%swap3A_120], %swap3A_123 {strides = array<i32>} : memref<640xi32, #tpu.memory_space<vmem>>, vector<16xi32>,
    %broadcast_in_dim3A_124 = arith.constant 0 : i32
    %broadcast_in_dim3A_125 = vector.broadcast %broadcast_in_dim3A_124 : i32 to vector<16xi32>
    %swap3A_126 = arith.constant 224 : index
    %swap3A_127 = tpu.vector_load %arg7[%swap3A_126] {strides = array<i32>} : memref<640xi32, #tpu.memory_space<vmem>>, vector<16xi32>,
    %swap3A_128 = vector.shape_cast %swap3A_127 : vector<16xi32> to vector<16xi32>
    %swap3A_129 = vector.shape_cast %broadcast_in_dim3A_125 : vector<16xi32> to vector<16xi32>
    tpu.vector_store %arg7[%swap3A_126], %swap3A_129 {strides = array<i32>} : memref<640xi32, #tpu.memory_space<vmem>>, vector<16xi32>,
    %broadcast_in_dim3A_130 = arith.constant 0 : i32
    %broadcast_in_dim3A_131 = vector.broadcast %broadcast_in_dim3A_130 : i32 to vector<16xi32>
    %swap3A_132 = arith.constant 240 : index
    %swap3A_133 = tpu.vector_load %arg7[%swap3A_132] {strides = array<i32>} : memref<640xi32, #tpu.memory_space<vmem>>, vector<16xi32>,
    %swap3A_134 = vector.shape_cast %swap3A_133 : vector<16xi32> to vector<16xi32>
    %swap3A_135 = vector.shape_cast %broadcast_in_dim3A_131 : vector<16xi32> to vector<16xi32>
    tpu.vector_store %arg7[%swap3A_132], %swap3A_135 {strides = array<i32>} : memref<640xi32, #tpu.memory_space<vmem>>, vector<16xi32>,
    %broadcast_in_dim3A_136 = arith.constant 0 : i32
    %broadcast_in_dim3A_137 = vector.broadcast %broadcast_in_dim3A_136 : i32 to vector<16xi32>
    %swap3A_138 = arith.constant 256 : index
    %swap3A_139 = tpu.vector_load %arg7[%swap3A_138] {strides = array<i32>} : memref<640xi32, #tpu.memory_space<vmem>>, vector<16xi32>,
    %swap3A_140 = vector.shape_cast %swap3A_139 : vector<16xi32> to vector<16xi32>
    %swap3A_141 = vector.shape_cast %broadcast_in_dim3A_137 : vector<16xi32> to vector<16xi32>
    tpu.vector_store %arg7[%swap3A_138], %swap3A_141 {strides = array<i32>} : memref<640xi32, #tpu.memory_space<vmem>>, vector<16xi32>,
    %broadcast_in_dim3A_142 = arith.constant 0 : i32
    %broadcast_in_dim3A_143 = vector.broadcast %broadcast_in_dim3A_142 : i32 to vector<16xi32>
    %swap3A_144 = arith.constant 272 : index
    %swap3A_145 = tpu.vector_load %arg7[%swap3A_144] {strides = array<i32>} : memref<640xi32, #tpu.memory_space<vmem>>, vector<16xi32>,
    %swap3A_146 = vector.shape_cast %swap3A_145 : vector<16xi32> to vector<16xi32>
    %swap3A_147 = vector.shape_cast %broadcast_in_dim3A_143 : vector<16xi32> to vector<16xi32>
    tpu.vector_store %arg7[%swap3A_144], %swap3A_147 {strides = array<i32>} : memref<640xi32, #tpu.memory_space<vmem>>, vector<16xi32>,
    %broadcast_in_dim3A_148 = arith.constant 0 : i32
    %broadcast_in_dim3A_149 = vector.broadcast %broadcast_in_dim3A_148 : i32 to vector<16xi32>
    %swap3A_150 = arith.constant 288 : index
    %swap3A_151 = tpu.vector_load %arg7[%swap3A_150] {strides = array<i32>} : memref<640xi32, #tpu.memory_space<vmem>>, vector<16xi32>,
    %swap3A_152 = vector.shape_cast %swap3A_151 : vector<16xi32> to vector<16xi32>
    %swap3A_153 = vector.shape_cast %broadcast_in_dim3A_149 : vector<16xi32> to vector<16xi32>
    tpu.vector_store %arg7[%swap3A_150], %swap3A_153 {strides = array<i32>} : memref<640xi32, #tpu.memory_space<vmem>>, vector<16xi32>,
    %broadcast_in_dim3A_154 = arith.constant 0 : i32
    %broadcast_in_dim3A_155 = vector.broadcast %broadcast_in_dim3A_154 : i32 to vector<16xi32>
    %swap3A_156 = arith.constant 304 : index
    %swap3A_157 = tpu.vector_load %arg7[%swap3A_156] {strides = array<i32>} : memref<640xi32, #tpu.memory_space<vmem>>, vector<16xi32>,
    %swap3A_158 = vector.shape_cast %swap3A_157 : vector<16xi32> to vector<16xi32>
    %swap3A_159 = vector.shape_cast %broadcast_in_dim3A_155 : vector<16xi32> to vector<16xi32>
    tpu.vector_store %arg7[%swap3A_156], %swap3A_159 {strides = array<i32>} : memref<640xi32, #tpu.memory_space<vmem>>, vector<16xi32>,
    %broadcast_in_dim3A_160 = arith.constant 0 : i32
    %broadcast_in_dim3A_161 = vector.broadcast %broadcast_in_dim3A_160 : i32 to vector<16xi32>
    %swap3A_162 = arith.constant 320 : index
    %swap3A_163 = tpu.vector_load %arg7[%swap3A_162] {strides = array<i32>} : memref<640xi32, #tpu.memory_space<vmem>>, vector<16xi32>,
    %swap3A_164 = vector.shape_cast %swap3A_163 : vector<16xi32> to vector<16xi32>
    %swap3A_165 = vector.shape_cast %broadcast_in_dim3A_161 : vector<16xi32> to vector<16xi32>
    tpu.vector_store %arg7[%swap3A_162], %swap3A_165 {strides = array<i32>} : memref<640xi32, #tpu.memory_space<vmem>>, vector<16xi32>,
    %broadcast_in_dim3A_166 = arith.constant 0 : i32
    %broadcast_in_dim3A_167 = vector.broadcast %broadcast_in_dim3A_166 : i32 to vector<16xi32>
    %swap3A_168 = arith.constant 336 : index
    %swap3A_169 = tpu.vector_load %arg7[%swap3A_168] {strides = array<i32>} : memref<640xi32, #tpu.memory_space<vmem>>, vector<16xi32>,
    %swap3A_170 = vector.shape_cast %swap3A_169 : vector<16xi32> to vector<16xi32>
    %swap3A_171 = vector.shape_cast %broadcast_in_dim3A_167 : vector<16xi32> to vector<16xi32>
    tpu.vector_store %arg7[%swap3A_168], %swap3A_171 {strides = array<i32>} : memref<640xi32, #tpu.memory_space<vmem>>, vector<16xi32>,
    %broadcast_in_dim3A_172 = arith.constant 0 : i32
    %broadcast_in_dim3A_173 = vector.broadcast %broadcast_in_dim3A_172 : i32 to vector<16xi32>
    %swap3A_174 = arith.constant 352 : index
    %swap3A_175 = tpu.vector_load %arg7[%swap3A_174] {strides = array<i32>} : memref<640xi32, #tpu.memory_space<vmem>>, vector<16xi32>,
    %swap3A_176 = vector.shape_cast %swap3A_175 : vector<16xi32> to vector<16xi32>
    %swap3A_177 = vector.shape_cast %broadcast_in_dim3A_173 : vector<16xi32> to vector<16xi32>
    tpu.vector_store %arg7[%swap3A_174], %swap3A_177 {strides = array<i32>} : memref<640xi32, #tpu.memory_space<vmem>>, vector<16xi32>,
    %broadcast_in_dim3A_178 = arith.constant 0 : i32
    %broadcast_in_dim3A_179 = vector.broadcast %broadcast_in_dim3A_178 : i32 to vector<16xi32>
    %swap3A_180 = arith.constant 368 : index
    %swap3A_181 = tpu.vector_load %arg7[%swap3A_180] {strides = array<i32>} : memref<640xi32, #tpu.memory_space<vmem>>, vector<16xi32>,
    %swap3A_182 = vector.shape_cast %swap3A_181 : vector<16xi32> to vector<16xi32>
    %swap3A_183 = vector.shape_cast %broadcast_in_dim3A_179 : vector<16xi32> to vector<16xi32>
    tpu.vector_store %arg7[%swap3A_180], %swap3A_183 {strides = array<i32>} : memref<640xi32, #tpu.memory_space<vmem>>, vector<16xi32>,
    %broadcast_in_dim3A_184 = arith.constant 0 : i32
    %broadcast_in_dim3A_185 = vector.broadcast %broadcast_in_dim3A_184 : i32 to vector<16xi32>
    %swap3A_186 = arith.constant 384 : index
    %swap3A_187 = tpu.vector_load %arg7[%swap3A_186] {strides = array<i32>} : memref<640xi32, #tpu.memory_space<vmem>>, vector<16xi32>,
    %swap3A_188 = vector.shape_cast %swap3A_187 : vector<16xi32> to vector<16xi32>
    %swap3A_189 = vector.shape_cast %broadcast_in_dim3A_185 : vector<16xi32> to vector<16xi32>
    tpu.vector_store %arg7[%swap3A_186], %swap3A_189 {strides = array<i32>} : memref<640xi32, #tpu.memory_space<vmem>>, vector<16xi32>,
    %broadcast_in_dim3A_190 = arith.constant 0 : i32
    %broadcast_in_dim3A_191 = vector.broadcast %broadcast_in_dim3A_190 : i32 to vector<16xi32>
    %swap3A_192 = arith.constant 400 : index
    %swap3A_193 = tpu.vector_load %arg7[%swap3A_192] {strides = array<i32>} : memref<640xi32, #tpu.memory_space<vmem>>, vector<16xi32>,
    %swap3A_194 = vector.shape_cast %swap3A_193 : vector<16xi32> to vector<16xi32>
    %swap3A_195 = vector.shape_cast %broadcast_in_dim3A_191 : vector<16xi32> to vector<16xi32>
    tpu.vector_store %arg7[%swap3A_192], %swap3A_195 {strides = array<i32>} : memref<640xi32, #tpu.memory_space<vmem>>, vector<16xi32>,
    %broadcast_in_dim3A_196 = arith.constant 0 : i32
    %broadcast_in_dim3A_197 = vector.broadcast %broadcast_in_dim3A_196 : i32 to vector<16xi32>
    %swap3A_198 = arith.constant 416 : index
    %swap3A_199 = tpu.vector_load %arg7[%swap3A_198] {strides = array<i32>} : memref<640xi32, #tpu.memory_space<vmem>>, vector<16xi32>,
    %swap3A_200 = vector.shape_cast %swap3A_199 : vector<16xi32> to vector<16xi32>
    %swap3A_201 = vector.shape_cast %broadcast_in_dim3A_197 : vector<16xi32> to vector<16xi32>
    tpu.vector_store %arg7[%swap3A_198], %swap3A_201 {strides = array<i32>} : memref<640xi32, #tpu.memory_space<vmem>>, vector<16xi32>,
    %broadcast_in_dim3A_202 = arith.constant 0 : i32
    %broadcast_in_dim3A_203 = vector.broadcast %broadcast_in_dim3A_202 : i32 to vector<16xi32>
    %swap3A_204 = arith.constant 432 : index
    %swap3A_205 = tpu.vector_load %arg7[%swap3A_204] {strides = array<i32>} : memref<640xi32, #tpu.memory_space<vmem>>, vector<16xi32>,
    %swap3A_206 = vector.shape_cast %swap3A_205 : vector<16xi32> to vector<16xi32>
    %swap3A_207 = vector.shape_cast %broadcast_in_dim3A_203 : vector<16xi32> to vector<16xi32>
    tpu.vector_store %arg7[%swap3A_204], %swap3A_207 {strides = array<i32>} : memref<640xi32, #tpu.memory_space<vmem>>, vector<16xi32>,
    %broadcast_in_dim3A_208 = arith.constant 0 : i32
    %broadcast_in_dim3A_209 = vector.broadcast %broadcast_in_dim3A_208 : i32 to vector<16xi32>
    %swap3A_210 = arith.constant 448 : index
    %swap3A_211 = tpu.vector_load %arg7[%swap3A_210] {strides = array<i32>} : memref<640xi32, #tpu.memory_space<vmem>>, vector<16xi32>,
    %swap3A_212 = vector.shape_cast %swap3A_211 : vector<16xi32> to vector<16xi32>
    %swap3A_213 = vector.shape_cast %broadcast_in_dim3A_209 : vector<16xi32> to vector<16xi32>
    tpu.vector_store %arg7[%swap3A_210], %swap3A_213 {strides = array<i32>} : memref<640xi32, #tpu.memory_space<vmem>>, vector<16xi32>,
    %broadcast_in_dim3A_214 = arith.constant 0 : i32
    %broadcast_in_dim3A_215 = vector.broadcast %broadcast_in_dim3A_214 : i32 to vector<16xi32>
    %swap3A_216 = arith.constant 464 : index
    %swap3A_217 = tpu.vector_load %arg7[%swap3A_216] {strides = array<i32>} : memref<640xi32, #tpu.memory_space<vmem>>, vector<16xi32>,
    %swap3A_218 = vector.shape_cast %swap3A_217 : vector<16xi32> to vector<16xi32>
    %swap3A_219 = vector.shape_cast %broadcast_in_dim3A_215 : vector<16xi32> to vector<16xi32>
    tpu.vector_store %arg7[%swap3A_216], %swap3A_219 {strides = array<i32>} : memref<640xi32, #tpu.memory_space<vmem>>, vector<16xi32>,
    %broadcast_in_dim3A_220 = arith.constant 0 : i32
    %broadcast_in_dim3A_221 = vector.broadcast %broadcast_in_dim3A_220 : i32 to vector<16xi32>
    %swap3A_222 = arith.constant 480 : index
    %swap3A_223 = tpu.vector_load %arg7[%swap3A_222] {strides = array<i32>} : memref<640xi32, #tpu.memory_space<vmem>>, vector<16xi32>,
    %swap3A_224 = vector.shape_cast %swap3A_223 : vector<16xi32> to vector<16xi32>
    %swap3A_225 = vector.shape_cast %broadcast_in_dim3A_221 : vector<16xi32> to vector<16xi32>
    tpu.vector_store %arg7[%swap3A_222], %swap3A_225 {strides = array<i32>} : memref<640xi32, #tpu.memory_space<vmem>>, vector<16xi32>,
    %broadcast_in_dim3A_226 = arith.constant 0 : i32
    %broadcast_in_dim3A_227 = vector.broadcast %broadcast_in_dim3A_226 : i32 to vector<16xi32>
    %swap3A_228 = arith.constant 496 : index
    %swap3A_229 = tpu.vector_load %arg7[%swap3A_228] {strides = array<i32>} : memref<640xi32, #tpu.memory_space<vmem>>, vector<16xi32>,
    %swap3A_230 = vector.shape_cast %swap3A_229 : vector<16xi32> to vector<16xi32>
    %swap3A_231 = vector.shape_cast %broadcast_in_dim3A_227 : vector<16xi32> to vector<16xi32>
    tpu.vector_store %arg7[%swap3A_228], %swap3A_231 {strides = array<i32>} : memref<640xi32, #tpu.memory_space<vmem>>, vector<16xi32>,
    %broadcast_in_dim3A_232 = arith.constant 0 : i32
    %broadcast_in_dim3A_233 = vector.broadcast %broadcast_in_dim3A_232 : i32 to vector<16xi32>
    %swap3A_234 = arith.constant 512 : index
    %swap3A_235 = tpu.vector_load %arg7[%swap3A_234] {strides = array<i32>} : memref<640xi32, #tpu.memory_space<vmem>>, vector<16xi32>,
    %swap3A_236 = vector.shape_cast %swap3A_235 : vector<16xi32> to vector<16xi32>
    %swap3A_237 = vector.shape_cast %broadcast_in_dim3A_233 : vector<16xi32> to vector<16xi32>
    tpu.vector_store %arg7[%swap3A_234], %swap3A_237 {strides = array<i32>} : memref<640xi32, #tpu.memory_space<vmem>>, vector<16xi32>,
    %broadcast_in_dim3A_238 = arith.constant 0 : i32
    %broadcast_in_dim3A_239 = vector.broadcast %broadcast_in_dim3A_238 : i32 to vector<16xi32>
    %swap3A_240 = arith.constant 528 : index
    %swap3A_241 = tpu.vector_load %arg7[%swap3A_240] {strides = array<i32>} : memref<640xi32, #tpu.memory_space<vmem>>, vector<16xi32>,
    %swap3A_242 = vector.shape_cast %swap3A_241 : vector<16xi32> to vector<16xi32>
    %swap3A_243 = vector.shape_cast %broadcast_in_dim3A_239 : vector<16xi32> to vector<16xi32>
    tpu.vector_store %arg7[%swap3A_240], %swap3A_243 {strides = array<i32>} : memref<640xi32, #tpu.memory_space<vmem>>, vector<16xi32>,
    %broadcast_in_dim3A_244 = arith.constant 0 : i32
    %broadcast_in_dim3A_245 = vector.broadcast %broadcast_in_dim3A_244 : i32 to vector<16xi32>
    %swap3A_246 = arith.constant 544 : index
    %swap3A_247 = tpu.vector_load %arg7[%swap3A_246] {strides = array<i32>} : memref<640xi32, #tpu.memory_space<vmem>>, vector<16xi32>,
    %swap3A_248 = vector.shape_cast %swap3A_247 : vector<16xi32> to vector<16xi32>
    %swap3A_249 = vector.shape_cast %broadcast_in_dim3A_245 : vector<16xi32> to vector<16xi32>
    tpu.vector_store %arg7[%swap3A_246], %swap3A_249 {strides = array<i32>} : memref<640xi32, #tpu.memory_space<vmem>>, vector<16xi32>,
    %broadcast_in_dim3A_250 = arith.constant 0 : i32
    %broadcast_in_dim3A_251 = vector.broadcast %broadcast_in_dim3A_250 : i32 to vector<16xi32>
    %swap3A_252 = arith.constant 560 : index
    %swap3A_253 = tpu.vector_load %arg7[%swap3A_252] {strides = array<i32>} : memref<640xi32, #tpu.memory_space<vmem>>, vector<16xi32>,
    %swap3A_254 = vector.shape_cast %swap3A_253 : vector<16xi32> to vector<16xi32>
    %swap3A_255 = vector.shape_cast %broadcast_in_dim3A_251 : vector<16xi32> to vector<16xi32>
    tpu.vector_store %arg7[%swap3A_252], %swap3A_255 {strides = array<i32>} : memref<640xi32, #tpu.memory_space<vmem>>, vector<16xi32>,
    %broadcast_in_dim3A_256 = arith.constant 0 : i32
    %broadcast_in_dim3A_257 = vector.broadcast %broadcast_in_dim3A_256 : i32 to vector<16xi32>
    %swap3A_258 = arith.constant 576 : index
    %swap3A_259 = tpu.vector_load %arg7[%swap3A_258] {strides = array<i32>} : memref<640xi32, #tpu.memory_space<vmem>>, vector<16xi32>,
    %swap3A_260 = vector.shape_cast %swap3A_259 : vector<16xi32> to vector<16xi32>
    %swap3A_261 = vector.shape_cast %broadcast_in_dim3A_257 : vector<16xi32> to vector<16xi32>
    tpu.vector_store %arg7[%swap3A_258], %swap3A_261 {strides = array<i32>} : memref<640xi32, #tpu.memory_space<vmem>>, vector<16xi32>,
    %broadcast_in_dim3A_262 = arith.constant 0 : i32
    %broadcast_in_dim3A_263 = vector.broadcast %broadcast_in_dim3A_262 : i32 to vector<16xi32>
    %swap3A_264 = arith.constant 592 : index
    %swap3A_265 = tpu.vector_load %arg7[%swap3A_264] {strides = array<i32>} : memref<640xi32, #tpu.memory_space<vmem>>, vector<16xi32>,
    %swap3A_266 = vector.shape_cast %swap3A_265 : vector<16xi32> to vector<16xi32>
    %swap3A_267 = vector.shape_cast %broadcast_in_dim3A_263 : vector<16xi32> to vector<16xi32>
    tpu.vector_store %arg7[%swap3A_264], %swap3A_267 {strides = array<i32>} : memref<640xi32, #tpu.memory_space<vmem>>, vector<16xi32>,
    %broadcast_in_dim3A_268 = arith.constant 0 : i32
    %broadcast_in_dim3A_269 = vector.broadcast %broadcast_in_dim3A_268 : i32 to vector<16xi32>
    %swap3A_270 = arith.constant 608 : index
    %swap3A_271 = tpu.vector_load %arg7[%swap3A_270] {strides = array<i32>} : memref<640xi32, #tpu.memory_space<vmem>>, vector<16xi32>,
    %swap3A_272 = vector.shape_cast %swap3A_271 : vector<16xi32> to vector<16xi32>
    %swap3A_273 = vector.shape_cast %broadcast_in_dim3A_269 : vector<16xi32> to vector<16xi32>
    tpu.vector_store %arg7[%swap3A_270], %swap3A_273 {strides = array<i32>} : memref<640xi32, #tpu.memory_space<vmem>>, vector<16xi32>,
    %broadcast_in_dim3A_274 = arith.constant 0 : i32
    %broadcast_in_dim3A_275 = vector.broadcast %broadcast_in_dim3A_274 : i32 to vector<16xi32>
    %swap3A_276 = arith.constant 624 : index
    %swap3A_277 = tpu.vector_load %arg7[%swap3A_276] {strides = array<i32>} : memref<640xi32, #tpu.memory_space<vmem>>, vector<16xi32>,
    %swap3A_278 = vector.shape_cast %swap3A_277 : vector<16xi32> to vector<16xi32>
    %swap3A_279 = vector.shape_cast %broadcast_in_dim3A_275 : vector<16xi32> to vector<16xi32>
    tpu.vector_store %arg7[%swap3A_276], %swap3A_279 {strides = array<i32>} : memref<640xi32, #tpu.memory_space<vmem>>, vector<16xi32>,
    %mul3A_280 = arith.constant 640 : i32
    %mul3A_281 = arith.muli %arg1, %mul3A_280 : i32
    %multiple_of3A_282 = tpu.assume_multiple %mul3A_281, 8 : i32
    "tpu.region"() ({
      %run_scoped3A = tpu.sem_alloc : memref<!tpu.dma_semaphore, #tpu.memory_space<semaphore_mem>>
      %dma_start3A_319 = tpu.memref_slice %arg8[%multiple_of3A_282] : memref<10240xi32, #tpu.memory_space<vmem_shared>> -> memref<640xi32, #tpu.memory_space<vmem_shared>>
      %dma_start3A_320 = tpu.memref_slice %arg8[%multiple_of3A_282] : memref<10240xi32, #tpu.memory_space<vmem_shared>> -> memref<640xi32, #tpu.memory_space<vmem_shared>>
      tpu.enqueue_dma source(%arg7 : memref<640xi32, #tpu.memory_space<vmem>>) target(%dma_start3A_320 : memref<640xi32, #tpu.memory_space<vmem_shared>>) target_semaphore(%run_scoped3A : memref<!tpu.dma_semaphore, #tpu.memory_space<semaphore_mem>>)
      %dma_wait3A_321 = tpu.memref_slice %arg8[%multiple_of3A_282] : memref<10240xi32, #tpu.memory_space<vmem_shared>> -> memref<640xi32, #tpu.memory_space<vmem_shared>>
      %dma_wait3A_322 = tpu.memref_slice %arg8[%multiple_of3A_282] : memref<10240xi32, #tpu.memory_space<vmem_shared>> -> memref<640xi32, #tpu.memory_space<vmem_shared>>
      tpu.wait_dma2 semaphore(%run_scoped3A : memref<!tpu.dma_semaphore, #tpu.memory_space<semaphore_mem>>) src(%arg7 : memref<640xi32, #tpu.memory_space<vmem>>) dst(%dma_wait3A_322 : memref<640xi32, #tpu.memory_space<vmem_shared>>)
      tpu.yield
    }) : () -> ()
    %dma_wait3A = arith.constant 0 : i32
    %dma_wait3A_283 = arith.constant 0 : i32
    %dma_wait3A_284 = tpu.memref_slice %arg5[%dma_wait3A, %dma_wait3A_283] : memref<2x10112xi32, #tpu.memory_space<vmem>> -> memref<2x9984xi32, #tpu.memory_space<vmem>>
    %dma_wait3A_285 = arith.constant 0 : i32
    %dma_wait3A_286 = tpu.memref_slice %arg2[%dma_wait3A_285, %multiple_of3A] : memref<2x320000xi32, #tpu.memory_space<hbm>> -> memref<2x9984xi32, #tpu.memory_space<hbm>>
    %dma_wait3A_287 = arith.constant 0 : i32
    %dma_wait3A_288 = arith.constant 0 : i32
    %dma_wait3A_289 = tpu.memref_slice %arg5[%dma_wait3A_287, %dma_wait3A_288] : memref<2x10112xi32, #tpu.memory_space<vmem>> -> memref<2x9984xi32, #tpu.memory_space<vmem>>
    %dma_wait3A_290 = arith.constant 0 : i32
    %dma_wait3A_291 = tpu.memref_slice %arg2[%dma_wait3A_290, %multiple_of3A] : memref<2x320000xi32, #tpu.memory_space<hbm>> -> memref<2x9984xi32, #tpu.memory_space<hbm>>
    tpu.wait_dma2 semaphore(%arg9 : memref<!tpu.dma_semaphore, #tpu.memory_space<semaphore_mem>>) src(%dma_wait3A_291 : memref<2x9984xi32, #tpu.memory_space<hbm>>) dst(%dma_wait3A_289 : memref<2x9984xi32, #tpu.memory_space<vmem>>)
    %convert_element_type3A_292 = arith.extui %lt3A_1 : i1 to i32
    %cond3A_293 = arith.constant 0 : i32
    %cond3A_294 = arith.cmpi ne, %convert_element_type3A_292, %cond3A_293 : i32
    scf.if %cond3A_294 {
      %add3A_319 = arith.constant 9984 : i32
      %add3A_320 = arith.addi %multiple_of3A, %add3A_319 : i32
      %dma_wait3A_321 = arith.constant 0 : i32
      %dma_wait3A_322 = arith.constant 9984 : i32
      %dma_wait3A_323 = tpu.memref_slice %arg5[%dma_wait3A_321, %dma_wait3A_322] : memref<2x10112xi32, #tpu.memory_space<vmem>> -> memref<2x128xi32, #tpu.memory_space<vmem>>
      %dma_wait3A_324 = arith.constant 0 : i32
      %dma_wait3A_325 = tpu.memref_slice %arg2[%dma_wait3A_324, %add3A_320] : memref<2x320000xi32, #tpu.memory_space<hbm>> -> memref<2x128xi32, #tpu.memory_space<hbm>>
      %dma_wait3A_326 = arith.constant 0 : i32
      %dma_wait3A_327 = arith.constant 9984 : i32
      %dma_wait3A_328 = tpu.memref_slice %arg5[%dma_wait3A_326, %dma_wait3A_327] : memref<2x10112xi32, #tpu.memory_space<vmem>> -> memref<2x128xi32, #tpu.memory_space<vmem>>
      %dma_wait3A_329 = arith.constant 0 : i32
      %dma_wait3A_330 = tpu.memref_slice %arg2[%dma_wait3A_329, %add3A_320] : memref<2x320000xi32, #tpu.memory_space<hbm>> -> memref<2x128xi32, #tpu.memory_space<hbm>>
      tpu.wait_dma2 semaphore(%arg9 : memref<!tpu.dma_semaphore, #tpu.memory_space<semaphore_mem>>) src(%dma_wait3A_330 : memref<2x128xi32, #tpu.memory_space<hbm>>) dst(%dma_wait3A_328 : memref<2x128xi32, #tpu.memory_space<vmem>>)
    } else {
    }
    %barrier3A = arith.constant 0 : index
    tpu.barrier barrier_id(%barrier3A)
    %scan3A = arith.constant 0 : i32
    %scan3A_295 = arith.constant 0 : i32
    %scan3A_296 = arith.constant 156 : i32
    %scan3A_297 = arith.addi %scan3A_295, %scan3A_296 : i32
    %scan3A_298 = arith.constant 1 : i32
    scf.for %scan3A_319 = %scan3A_295 to %scan3A_297 step %scan3A_298  : i32 {
      %mul3A_320 = arith.constant 64 : i32
      %mul3A_321 = arith.muli %scan3A_319, %mul3A_320 : i32
      %multiple_of3A_322 = tpu.assume_multiple %mul3A_321, 8 : i32
      %dma_start3A_323 = arith.constant 0 : i32
      %dma_start3A_324 = tpu.memref_slice %arg5[%dma_start3A_323, %multiple_of3A_322] : memref<2x10112xi32, #tpu.memory_space<vmem>> -> memref<1x64xi32, #tpu.memory_space<vmem>>
      %dma_start3A_325 = tpu.memref_squeeze %dma_start3A_324 : memref<1x64xi32, #tpu.memory_space<vmem>> -> memref<64xi32, #tpu.memory_space<vmem>>
      %dma_start3A_326 = arith.constant 0 : i32
      %dma_start3A_327 = tpu.memref_slice %arg8[%dma_start3A_326] : memref<10240xi32, #tpu.memory_space<vmem_shared>> -> memref<10240xi32, #tpu.memory_space<vmem_shared>>
      tpu.enqueue_indirect_dma source(%arg6 : memref<64xi32, #tpu.memory_space<vmem>>) target(%dma_start3A_327 : memref<10240xi32, #tpu.memory_space<vmem_shared>>) offsets(%dma_start3A_325 : memref<64xi32, #tpu.memory_space<vmem>>) semaphore(%arg10 : memref<!tpu.dma_semaphore, #tpu.memory_space<semaphore_mem>>) {add = true}
      %ge3A = arith.constant 16 : i32
      %ge3A_328 = arith.cmpi sge, %scan3A_319, %ge3A : i32
      %convert_element_type3A_329 = arith.extui %ge3A_328 : i1 to i32
      %cond3A_330 = arith.constant 0 : i32
      %cond3A_331 = arith.cmpi ne, %convert_element_type3A_329, %cond3A_330 : i32
      scf.if %cond3A_331 {
        %dma_wait3A_332 = arith.constant 0 : i32
        %dma_wait3A_333 = arith.constant 0 : i32
        %dma_wait3A_334 = tpu.memref_slice %arg5[%dma_wait3A_332, %dma_wait3A_333] : memref<2x10112xi32, #tpu.memory_space<vmem>> -> memref<1x64xi32, #tpu.memory_space<vmem>>
        %dma_wait3A_335 = tpu.memref_squeeze %dma_wait3A_334 : memref<1x64xi32, #tpu.memory_space<vmem>> -> memref<64xi32, #tpu.memory_space<vmem>>
        %dma_wait3A_336 = arith.constant 0 : i32
        %dma_wait3A_337 = tpu.memref_slice %arg8[%dma_wait3A_336] : memref<10240xi32, #tpu.memory_space<vmem_shared>> -> memref<10240xi32, #tpu.memory_space<vmem_shared>>
        tpu.wait_indirect_dma semaphore(%arg10 : memref<!tpu.dma_semaphore, #tpu.memory_space<semaphore_mem>>) src(%arg6 : memref<64xi32, #tpu.memory_space<vmem>>) dst(%dma_wait3A_337 : memref<10240xi32, #tpu.memory_space<vmem_shared>>)
      } else {
      }
    }
    %scan3A_299 = arith.constant 156 : i32
    %convert_element_type3A_300 = arith.extui %lt3A_1 : i1 to i32
    %cond3A_301 = arith.constant 0 : i32
    %cond3A_302 = arith.cmpi ne, %convert_element_type3A_300, %cond3A_301 : i32
    scf.if %cond3A_302 {
      %multiple_of3A_319 = arith.constant 9984 : i32
      %multiple_of3A_320 = tpu.assume_multiple %multiple_of3A_319, 8 : i32
      %dma_start3A_321 = arith.constant 0 : i32
      %dma_start3A_322 = tpu.memref_slice %arg5[%dma_start3A_321, %multiple_of3A_320] : memref<2x10112xi32, #tpu.memory_space<vmem>> -> memref<1x64xi32, #tpu.memory_space<vmem>>
      %dma_start3A_323 = tpu.memref_squeeze %dma_start3A_322 : memref<1x64xi32, #tpu.memory_space<vmem>> -> memref<64xi32, #tpu.memory_space<vmem>>
      %dma_start3A_324 = arith.constant 0 : i32
      %dma_start3A_325 = tpu.memref_slice %arg8[%dma_start3A_324] : memref<10240xi32, #tpu.memory_space<vmem_shared>> -> memref<10240xi32, #tpu.memory_space<vmem_shared>>
      tpu.enqueue_indirect_dma source(%arg6 : memref<64xi32, #tpu.memory_space<vmem>>) target(%dma_start3A_325 : memref<10240xi32, #tpu.memory_space<vmem_shared>>) offsets(%dma_start3A_323 : memref<64xi32, #tpu.memory_space<vmem>>) semaphore(%arg10 : memref<!tpu.dma_semaphore, #tpu.memory_space<semaphore_mem>>) {add = true}
      %multiple_of3A_326 = arith.constant 10048 : i32
      %multiple_of3A_327 = tpu.assume_multiple %multiple_of3A_326, 8 : i32
      %dma_start3A_328 = arith.constant 0 : i32
      %dma_start3A_329 = tpu.memref_slice %arg5[%dma_start3A_328, %multiple_of3A_327] : memref<2x10112xi32, #tpu.memory_space<vmem>> -> memref<1x64xi32, #tpu.memory_space<vmem>>
      %dma_start3A_330 = tpu.memref_squeeze %dma_start3A_329 : memref<1x64xi32, #tpu.memory_space<vmem>> -> memref<64xi32, #tpu.memory_space<vmem>>
      %dma_start3A_331 = arith.constant 0 : i32
      %dma_start3A_332 = tpu.memref_slice %arg8[%dma_start3A_331] : memref<10240xi32, #tpu.memory_space<vmem_shared>> -> memref<10240xi32, #tpu.memory_space<vmem_shared>>
      tpu.enqueue_indirect_dma source(%arg6 : memref<64xi32, #tpu.memory_space<vmem>>) target(%dma_start3A_332 : memref<10240xi32, #tpu.memory_space<vmem_shared>>) offsets(%dma_start3A_330 : memref<64xi32, #tpu.memory_space<vmem>>) semaphore(%arg10 : memref<!tpu.dma_semaphore, #tpu.memory_space<semaphore_mem>>) {add = true}
      %dma_wait3A_333 = arith.constant 0 : i32
      %dma_wait3A_334 = arith.constant 0 : i32
      %dma_wait3A_335 = tpu.memref_slice %arg5[%dma_wait3A_333, %dma_wait3A_334] : memref<2x10112xi32, #tpu.memory_space<vmem>> -> memref<1x64xi32, #tpu.memory_space<vmem>>
      %dma_wait3A_336 = tpu.memref_squeeze %dma_wait3A_335 : memref<1x64xi32, #tpu.memory_space<vmem>> -> memref<64xi32, #tpu.memory_space<vmem>>
      %dma_wait3A_337 = arith.constant 0 : i32
      %dma_wait3A_338 = tpu.memref_slice %arg8[%dma_wait3A_337] : memref<10240xi32, #tpu.memory_space<vmem_shared>> -> memref<10240xi32, #tpu.memory_space<vmem_shared>>
      tpu.wait_indirect_dma semaphore(%arg10 : memref<!tpu.dma_semaphore, #tpu.memory_space<semaphore_mem>>) src(%arg6 : memref<64xi32, #tpu.memory_space<vmem>>) dst(%dma_wait3A_338 : memref<10240xi32, #tpu.memory_space<vmem_shared>>)
      %dma_wait3A_339 = arith.constant 0 : i32
      %dma_wait3A_340 = arith.constant 0 : i32
      %dma_wait3A_341 = tpu.memref_slice %arg5[%dma_wait3A_339, %dma_wait3A_340] : memref<2x10112xi32, #tpu.memory_space<vmem>> -> memref<1x64xi32, #tpu.memory_space<vmem>>
      %dma_wait3A_342 = tpu.memref_squeeze %dma_wait3A_341 : memref<1x64xi32, #tpu.memory_space<vmem>> -> memref<64xi32, #tpu.memory_space<vmem>>
      %dma_wait3A_343 = arith.constant 0 : i32
      %dma_wait3A_344 = tpu.memref_slice %arg8[%dma_wait3A_343] : memref<10240xi32, #tpu.memory_space<vmem_shared>> -> memref<10240xi32, #tpu.memory_space<vmem_shared>>
      tpu.wait_indirect_dma semaphore(%arg10 : memref<!tpu.dma_semaphore, #tpu.memory_space<semaphore_mem>>) src(%arg6 : memref<64xi32, #tpu.memory_space<vmem>>) dst(%dma_wait3A_344 : memref<10240xi32, #tpu.memory_space<vmem_shared>>)
    } else {
    }
    %scan3A_303 = arith.constant 0 : i32
    %scan3A_304 = arith.constant 0 : i32
    %scan3A_305 = arith.constant 16 : i32
    %scan3A_306 = arith.addi %scan3A_304, %scan3A_305 : i32
    %scan3A_307 = arith.constant 1 : i32
    scf.for %scan3A_319 = %scan3A_304 to %scan3A_306 step %scan3A_307  : i32 {
      %dma_wait3A_320 = arith.constant 0 : i32
      %dma_wait3A_321 = arith.constant 0 : i32
      %dma_wait3A_322 = tpu.memref_slice %arg5[%dma_wait3A_320, %dma_wait3A_321] : memref<2x10112xi32, #tpu.memory_space<vmem>> -> memref<1x64xi32, #tpu.memory_space<vmem>>
      %dma_wait3A_323 = tpu.memref_squeeze %dma_wait3A_322 : memref<1x64xi32, #tpu.memory_space<vmem>> -> memref<64xi32, #tpu.memory_space<vmem>>
      %dma_wait3A_324 = arith.constant 0 : i32
      %dma_wait3A_325 = tpu.memref_slice %arg8[%dma_wait3A_324] : memref<10240xi32, #tpu.memory_space<vmem_shared>> -> memref<10240xi32, #tpu.memory_space<vmem_shared>>
      tpu.wait_indirect_dma semaphore(%arg10 : memref<!tpu.dma_semaphore, #tpu.memory_space<semaphore_mem>>) src(%arg6 : memref<64xi32, #tpu.memory_space<vmem>>) dst(%dma_wait3A_325 : memref<10240xi32, #tpu.memory_space<vmem_shared>>)
    }
    %scan3A_308 = arith.constant 16 : i32
    %barrier3A_309 = arith.constant 0 : index
    tpu.barrier barrier_id(%barrier3A_309)
    "tpu.region"() ({
      %run_scoped3A = tpu.sem_alloc : memref<!tpu.dma_semaphore, #tpu.memory_space<semaphore_mem>>
      %dma_start3A_319 = tpu.memref_slice %arg8[%multiple_of3A_282] : memref<10240xi32, #tpu.memory_space<vmem_shared>> -> memref<640xi32, #tpu.memory_space<vmem_shared>>
      %dma_start3A_320 = tpu.memref_slice %arg8[%multiple_of3A_282] : memref<10240xi32, #tpu.memory_space<vmem_shared>> -> memref<640xi32, #tpu.memory_space<vmem_shared>>
      tpu.enqueue_dma source(%dma_start3A_320 : memref<640xi32, #tpu.memory_space<vmem_shared>>) target(%arg7 : memref<640xi32, #tpu.memory_space<vmem>>) target_semaphore(%run_scoped3A : memref<!tpu.dma_semaphore, #tpu.memory_space<semaphore_mem>>)
      %dma_wait3A_321 = tpu.memref_slice %arg8[%multiple_of3A_282] : memref<10240xi32, #tpu.memory_space<vmem_shared>> -> memref<640xi32, #tpu.memory_space<vmem_shared>>
      %dma_wait3A_322 = tpu.memref_slice %arg8[%multiple_of3A_282] : memref<10240xi32, #tpu.memory_space<vmem_shared>> -> memref<640xi32, #tpu.memory_space<vmem_shared>>
      tpu.wait_dma2 semaphore(%run_scoped3A : memref<!tpu.dma_semaphore, #tpu.memory_space<semaphore_mem>>) src(%dma_wait3A_322 : memref<640xi32, #tpu.memory_space<vmem_shared>>) dst(%arg7 : memref<640xi32, #tpu.memory_space<vmem>>)
      tpu.yield
    }) : () -> ()
    %eq3A = arith.constant 0 : i32
    %eq3A_310 = arith.cmpi eq, %arg0, %eq3A : i32
    %convert_element_type3A_311 = arith.extui %eq3A_310 : i1 to i32
    %cond3A_312 = arith.constant 0 : i32
    %cond3A_313 = arith.cmpi ne, %convert_element_type3A_311, %cond3A_312 : i32
    scf.if %cond3A_313 {
      "tpu.region"() ({
        %run_scoped3A = tpu.sem_alloc : memref<!tpu.dma_semaphore, #tpu.memory_space<semaphore_mem>>
        %dma_start3A_319 = tpu.memref_slice %arg3[%multiple_of3A_282] : memref<10240xi32, #tpu.memory_space<hbm>> -> memref<640xi32, #tpu.memory_space<hbm>>
        %dma_start3A_320 = tpu.memref_slice %arg3[%multiple_of3A_282] : memref<10240xi32, #tpu.memory_space<hbm>> -> memref<640xi32, #tpu.memory_space<hbm>>
        tpu.enqueue_dma source(%arg7 : memref<640xi32, #tpu.memory_space<vmem>>) target(%dma_start3A_320 : memref<640xi32, #tpu.memory_space<hbm>>) target_semaphore(%run_scoped3A : memref<!tpu.dma_semaphore, #tpu.memory_space<semaphore_mem>>)
        %dma_wait3A_321 = tpu.memref_slice %arg3[%multiple_of3A_282] : memref<10240xi32, #tpu.memory_space<hbm>> -> memref<640xi32, #tpu.memory_space<hbm>>
        %dma_wait3A_322 = tpu.memref_slice %arg3[%multiple_of3A_282] : memref<10240xi32, #tpu.memory_space<hbm>> -> memref<640xi32, #tpu.memory_space<hbm>>
        tpu.wait_dma2 semaphore(%run_scoped3A : memref<!tpu.dma_semaphore, #tpu.memory_space<semaphore_mem>>) src(%arg7 : memref<640xi32, #tpu.memory_space<vmem>>) dst(%dma_wait3A_322 : memref<640xi32, #tpu.memory_space<hbm>>)
        tpu.yield
      }) : () -> ()
    } else {
    }
    %eq3A_314 = arith.constant 1 : i32
    %eq3A_315 = arith.cmpi eq, %arg0, %eq3A_314 : i32
    %convert_element_type3A_316 = arith.extui %eq3A_315 : i1 to i32
    %cond3A_317 = arith.constant 0 : i32
    %cond3A_318 = arith.cmpi ne, %convert_element_type3A_316, %cond3A_317 : i32
    scf.if %cond3A_318 {
      "tpu.region"() ({
        %run_scoped3A = tpu.sem_alloc : memref<!tpu.dma_semaphore, #tpu.memory_space<semaphore_mem>>
        %dma_start3A_319 = tpu.memref_slice %arg4[%multiple_of3A_282] : memref<10240xi32, #tpu.memory_space<hbm>> -> memref<640xi32, #tpu.memory_space<hbm>>
        %dma_start3A_320 = tpu.memref_slice %arg4[%multiple_of3A_282] : memref<10240xi32, #tpu.memory_space<hbm>> -> memref<640xi32, #tpu.memory_space<hbm>>
        tpu.enqueue_dma source(%arg7 : memref<640xi32, #tpu.memory_space<vmem>>) target(%dma_start3A_320 : memref<640xi32, #tpu.memory_space<hbm>>) target_semaphore(%run_scoped3A : memref<!tpu.dma_semaphore, #tpu.memory_space<semaphore_mem>>)
        %dma_wait3A_321 = tpu.memref_slice %arg4[%multiple_of3A_282] : memref<10240xi32, #tpu.memory_space<hbm>> -> memref<640xi32, #tpu.memory_space<hbm>>
        %dma_wait3A_322 = tpu.memref_slice %arg4[%multiple_of3A_282] : memref<10240xi32, #tpu.memory_space<hbm>> -> memref<640xi32, #tpu.memory_space<hbm>>
        tpu.wait_dma2 semaphore(%run_scoped3A : memref<!tpu.dma_semaphore, #tpu.memory_space<semaphore_mem>>) src(%arg7 : memref<640xi32, #tpu.memory_space<vmem>>) dst(%dma_wait3A_322 : memref<640xi32, #tpu.memory_space<hbm>>)
        tpu.yield
      }) : () -> ()
    } else {
    }
    return
  }
}

module attributes {stable_mosaic.version = 14 : i64} {
  func.func @_tc_body(%arg0: i32, %arg1: memref<1x8x128xi32, #tpu.memory_space<vmem>>, %arg2: memref<1x8x128xi32, #tpu.memory_space<vmem>>, %arg3: memref<512x128xbf16, #tpu.memory_space<vmem>>, %arg4: memref<1024x128xf32, #tpu.memory_space<vmem>>, %arg5: memref<1024x128xf32, #tpu.memory_space<vmem>>) attributes {dimension_semantics = [#tpu.dimension_semantics<parallel>], iteration_bounds = array<i64: 10>, scalar_prefetch = 0 : i64, scratch_operands = 0 : i64, tpu.core_type = #tpu.core_type<tc>, window_params = [{transform_indices = @transform_0, window_bounds = array<i64: 1, 8, 128>}, {transform_indices = @transform_1, window_bounds = array<i64: 1, 8, 128>}, {pipeline_mode = #tpu.pipeline_mode<synchronous>, transform_indices = @transform_2, window_bounds = array<i64: 512, 128>}, {transform_indices = @transform_3, window_bounds = array<i64: 1024, 128>}, {transform_indices = @transform_4, window_bounds = array<i64: 1024, 128>}]} {
    %get3A = arith.constant 0 : index
    %get3A_0 = arith.constant 0 : index
    %get3A_1 = arith.constant 0 : index
    %get3A_2 = vector.load %arg1[%get3A, %get3A_0, %get3A_1] : memref<1x8x128xi32, #tpu.memory_space<vmem>>, vector<1x8x128xi32>
    %get3A_3 = vector.shape_cast %get3A_2 : vector<1x8x128xi32> to vector<8x128xi32>
    %get3A_4 = arith.constant 0 : index
    %get3A_5 = arith.constant 0 : index
    %get3A_6 = arith.constant 0 : index
    %get3A_7 = vector.load %arg2[%get3A_4, %get3A_5, %get3A_6] : memref<1x8x128xi32, #tpu.memory_space<vmem>>, vector<1x8x128xi32>
    %get3A_8 = vector.shape_cast %get3A_7 : vector<1x8x128xi32> to vector<8x128xi32>
    %add3A = arith.addi %get3A_3, %get3A_8 : vector<8x128xi32>
    %min3A = arith.constant 511 : i32
    %min3A_9 = vector.broadcast %min3A : i32 to vector<8x128xi32>
    %min3A_10 = arith.minsi %add3A, %min3A_9 : vector<8x128xi32>
    %iota3A = tpu.iota {dimensions = array<i32: 0>} : vector<1024x128xi32>
    %jit3A = arith.constant 128 : i32
    %div3A = vector.broadcast %jit3A : i32 to vector<1024x128xi32>
    %div3A_11 = arith.divsi %iota3A, %div3A : vector<1024x128xi32>
    %sign3A = arith.constant 0 : i32
    %sign3A_12 = vector.broadcast %sign3A : i32 to vector<1024x128xi32>
    %sign3A_13 = arith.cmpi sgt, %iota3A, %sign3A_12 : vector<1024x128xi32>
    %sign3A_14 = arith.extui %sign3A_13 : vector<1024x128xi1> to vector<1024x128xi32>
    %sign3A_15 = arith.constant 0 : i32
    %sign3A_16 = vector.broadcast %sign3A_15 : i32 to vector<1024x128xi32>
    %sign3A_17 = arith.cmpi slt, %iota3A, %sign3A_16 : vector<1024x128xi32>
    %sign3A_18 = arith.extui %sign3A_17 : vector<1024x128xi1> to vector<1024x128xi32>
    %sign3A_19 = arith.subi %sign3A_14, %sign3A_18 : vector<1024x128xi32>
    %sign3A_20 = arith.constant 0 : i32
    %sign3A_21 = arith.cmpi sgt, %jit3A, %sign3A_20 : i32
    %sign3A_22 = arith.extui %sign3A_21 : i1 to i32
    %sign3A_23 = arith.constant 0 : i32
    %sign3A_24 = arith.cmpi slt, %jit3A, %sign3A_23 : i32
    %sign3A_25 = arith.extui %sign3A_24 : i1 to i32
    %sign3A_26 = arith.subi %sign3A_22, %sign3A_25 : i32
    %ne3A = vector.broadcast %sign3A_26 : i32 to vector<1024x128xi32>
    %ne3A_27 = arith.cmpi ne, %sign3A_19, %ne3A : vector<1024x128xi32>
    %rem3A = vector.broadcast %jit3A : i32 to vector<1024x128xi32>
    %rem3A_28 = arith.remsi %iota3A, %rem3A : vector<1024x128xi32>
    %ne3A_29 = arith.constant 0 : i32
    %ne3A_30 = vector.broadcast %ne3A_29 : i32 to vector<1024x128xi32>
    %ne3A_31 = arith.cmpi ne, %rem3A_28, %ne3A_30 : vector<1024x128xi32>
    %and3A = arith.andi %ne3A_27, %ne3A_31 : vector<1024x128xi1>
    %sub3A = arith.constant 1 : i32
    %sub3A_32 = vector.broadcast %sub3A : i32 to vector<1024x128xi32>
    %sub3A_33 = arith.subi %div3A_11, %sub3A_32 : vector<1024x128xi32>
    %select_n3A = arith.select %and3A, %sub3A_33, %div3A_11 : vector<1024x128xi1>, vector<1024x128xi32>
    %broadcast_in_dim3A = arith.constant 0 : i32
    %broadcast_in_dim3A_34 = vector.broadcast %broadcast_in_dim3A : i32 to vector<1024x128xi32>
    %eq3A = arith.constant 0 : i32
    %eq3A_35 = vector.broadcast %eq3A : i32 to vector<1024x128xi32>
    %eq3A_36 = arith.cmpi eq, %select_n3A, %eq3A_35 : vector<1024x128xi32>
    %slice3A = vector.extract_strided_slice %min3A_10 {offsets = [0, 0], sizes = [1, 128], strides = [1, 1]} : vector<8x128xi32> to vector<1x128xi32>
    %broadcast_in_dim3A_37 = vector.shape_cast %slice3A : vector<1x128xi32> to vector<1x128xi32>
    %broadcast_in_dim3A_38 = vector.broadcast %broadcast_in_dim3A_37 : vector<1x128xi32> to vector<1024x128xi32>
    %select_n3A_39 = arith.select %eq3A_36, %broadcast_in_dim3A_38, %broadcast_in_dim3A_34 : vector<1024x128xi1>, vector<1024x128xi32>
    %eq3A_40 = arith.constant 1 : i32
    %eq3A_41 = vector.broadcast %eq3A_40 : i32 to vector<1024x128xi32>
    %eq3A_42 = arith.cmpi eq, %select_n3A, %eq3A_41 : vector<1024x128xi32>
    %slice3A_43 = vector.extract_strided_slice %min3A_10 {offsets = [1, 0], sizes = [1, 128], strides = [1, 1]} : vector<8x128xi32> to vector<1x128xi32>
    %broadcast_in_dim3A_44 = vector.shape_cast %slice3A_43 : vector<1x128xi32> to vector<1x128xi32>
    %broadcast_in_dim3A_45 = vector.broadcast %broadcast_in_dim3A_44 : vector<1x128xi32> to vector<1024x128xi32>
    %select_n3A_46 = arith.select %eq3A_42, %broadcast_in_dim3A_45, %select_n3A_39 : vector<1024x128xi1>, vector<1024x128xi32>
    %eq3A_47 = arith.constant 2 : i32
    %eq3A_48 = vector.broadcast %eq3A_47 : i32 to vector<1024x128xi32>
    %eq3A_49 = arith.cmpi eq, %select_n3A, %eq3A_48 : vector<1024x128xi32>
    %slice3A_50 = vector.extract_strided_slice %min3A_10 {offsets = [2, 0], sizes = [1, 128], strides = [1, 1]} : vector<8x128xi32> to vector<1x128xi32>
    %broadcast_in_dim3A_51 = vector.shape_cast %slice3A_50 : vector<1x128xi32> to vector<1x128xi32>
    %broadcast_in_dim3A_52 = vector.broadcast %broadcast_in_dim3A_51 : vector<1x128xi32> to vector<1024x128xi32>
    %select_n3A_53 = arith.select %eq3A_49, %broadcast_in_dim3A_52, %select_n3A_46 : vector<1024x128xi1>, vector<1024x128xi32>
    %eq3A_54 = arith.constant 3 : i32
    %eq3A_55 = vector.broadcast %eq3A_54 : i32 to vector<1024x128xi32>
    %eq3A_56 = arith.cmpi eq, %select_n3A, %eq3A_55 : vector<1024x128xi32>
    %slice3A_57 = vector.extract_strided_slice %min3A_10 {offsets = [3, 0], sizes = [1, 128], strides = [1, 1]} : vector<8x128xi32> to vector<1x128xi32>
    %broadcast_in_dim3A_58 = vector.shape_cast %slice3A_57 : vector<1x128xi32> to vector<1x128xi32>
    %broadcast_in_dim3A_59 = vector.broadcast %broadcast_in_dim3A_58 : vector<1x128xi32> to vector<1024x128xi32>
    %select_n3A_60 = arith.select %eq3A_56, %broadcast_in_dim3A_59, %select_n3A_53 : vector<1024x128xi1>, vector<1024x128xi32>
    %eq3A_61 = arith.constant 4 : i32
    %eq3A_62 = vector.broadcast %eq3A_61 : i32 to vector<1024x128xi32>
    %eq3A_63 = arith.cmpi eq, %select_n3A, %eq3A_62 : vector<1024x128xi32>
    %slice3A_64 = vector.extract_strided_slice %min3A_10 {offsets = [4, 0], sizes = [1, 128], strides = [1, 1]} : vector<8x128xi32> to vector<1x128xi32>
    %broadcast_in_dim3A_65 = vector.shape_cast %slice3A_64 : vector<1x128xi32> to vector<1x128xi32>
    %broadcast_in_dim3A_66 = vector.broadcast %broadcast_in_dim3A_65 : vector<1x128xi32> to vector<1024x128xi32>
    %select_n3A_67 = arith.select %eq3A_63, %broadcast_in_dim3A_66, %select_n3A_60 : vector<1024x128xi1>, vector<1024x128xi32>
    %eq3A_68 = arith.constant 5 : i32
    %eq3A_69 = vector.broadcast %eq3A_68 : i32 to vector<1024x128xi32>
    %eq3A_70 = arith.cmpi eq, %select_n3A, %eq3A_69 : vector<1024x128xi32>
    %slice3A_71 = vector.extract_strided_slice %min3A_10 {offsets = [5, 0], sizes = [1, 128], strides = [1, 1]} : vector<8x128xi32> to vector<1x128xi32>
    %broadcast_in_dim3A_72 = vector.shape_cast %slice3A_71 : vector<1x128xi32> to vector<1x128xi32>
    %broadcast_in_dim3A_73 = vector.broadcast %broadcast_in_dim3A_72 : vector<1x128xi32> to vector<1024x128xi32>
    %select_n3A_74 = arith.select %eq3A_70, %broadcast_in_dim3A_73, %select_n3A_67 : vector<1024x128xi1>, vector<1024x128xi32>
    %eq3A_75 = arith.constant 6 : i32
    %eq3A_76 = vector.broadcast %eq3A_75 : i32 to vector<1024x128xi32>
    %eq3A_77 = arith.cmpi eq, %select_n3A, %eq3A_76 : vector<1024x128xi32>
    %slice3A_78 = vector.extract_strided_slice %min3A_10 {offsets = [6, 0], sizes = [1, 128], strides = [1, 1]} : vector<8x128xi32> to vector<1x128xi32>
    %broadcast_in_dim3A_79 = vector.shape_cast %slice3A_78 : vector<1x128xi32> to vector<1x128xi32>
    %broadcast_in_dim3A_80 = vector.broadcast %broadcast_in_dim3A_79 : vector<1x128xi32> to vector<1024x128xi32>
    %select_n3A_81 = arith.select %eq3A_77, %broadcast_in_dim3A_80, %select_n3A_74 : vector<1024x128xi1>, vector<1024x128xi32>
    %eq3A_82 = arith.constant 7 : i32
    %eq3A_83 = vector.broadcast %eq3A_82 : i32 to vector<1024x128xi32>
    %eq3A_84 = arith.cmpi eq, %select_n3A, %eq3A_83 : vector<1024x128xi32>
    %slice3A_85 = vector.extract_strided_slice %min3A_10 {offsets = [7, 0], sizes = [1, 128], strides = [1, 1]} : vector<8x128xi32> to vector<1x128xi32>
    %broadcast_in_dim3A_86 = vector.shape_cast %slice3A_85 : vector<1x128xi32> to vector<1x128xi32>
    %broadcast_in_dim3A_87 = vector.broadcast %broadcast_in_dim3A_86 : vector<1x128xi32> to vector<1024x128xi32>
    %select_n3A_88 = arith.select %eq3A_84, %broadcast_in_dim3A_87, %select_n3A_81 : vector<1024x128xi1>, vector<1024x128xi32>
    %iota3A_89 = tpu.iota {dimensions = array<i32: 1>} : vector<1024x128xi32>
    %iota3A_90 = tpu.iota {dimensions = array<i32: 0>} : vector<1024x128xi32>
    %jit3A_91 = arith.constant 128 : i32
    %eq3A_92 = arith.constant 0 : i32
    %eq3A_93 = arith.cmpi eq, %jit3A_91, %eq3A_92 : i32
    %jit3A_94 = arith.constant 1 : i32
    %select_n3A_95 = arith.select %eq3A_93, %jit3A_94, %jit3A_91 : i32
    %rem3A_96 = vector.broadcast %select_n3A_95 : i32 to vector<1024x128xi32>
    %rem3A_97 = arith.remsi %iota3A_90, %rem3A_96 : vector<1024x128xi32>
    %ne3A_98 = arith.constant 0 : i32
    %ne3A_99 = vector.broadcast %ne3A_98 : i32 to vector<1024x128xi32>
    %ne3A_100 = arith.cmpi ne, %rem3A_97, %ne3A_99 : vector<1024x128xi32>
    %lt3A = arith.constant 0 : i32
    %lt3A_101 = vector.broadcast %lt3A : i32 to vector<1024x128xi32>
    %lt3A_102 = arith.cmpi slt, %rem3A_97, %lt3A_101 : vector<1024x128xi32>
    %lt3A_103 = arith.constant 0 : i32
    %lt3A_104 = arith.cmpi slt, %select_n3A_95, %lt3A_103 : i32
    %ne3A_105 = vector.broadcast %lt3A_104 : i1 to vector<1024x128xi1>
    %ne3A_106 = vector.broadcast %ne3A_105 : vector<1024x128xi1> to vector<1024x128xi1>
    %ne3A_107 = arith.xori %lt3A_102, %ne3A_106 : vector<1024x128xi1>
    %and3A_108 = arith.andi %ne3A_107, %ne3A_100 : vector<1024x128xi1>
    %add3A_109 = vector.broadcast %select_n3A_95 : i32 to vector<1024x128xi32>
    %add3A_110 = arith.addi %rem3A_97, %add3A_109 : vector<1024x128xi32>
    %select_n3A_111 = arith.select %and3A_108, %add3A_110, %rem3A_97 : vector<1024x128xi1>, vector<1024x128xi32>
    %eq3A_112 = arith.cmpi eq, %iota3A_89, %select_n3A_111 : vector<1024x128xi32>
    %jit3A_113 = arith.constant 0 : i32
    %broadcast_in_dim3A_114 = vector.broadcast %jit3A_113 : i32 to vector<1024x128xi32>
    %select_n3A_115 = arith.select %eq3A_112, %select_n3A_88, %broadcast_in_dim3A_114 : vector<1024x128xi1>, vector<1024x128xi32>
    %reduce_sum3A = arith.constant dense<0> : vector<1024xi32>
    %reduce_sum3A_116 = vector.multi_reduction <add>, %select_n3A_115, %reduce_sum3A [1] : vector<1024x128xi32> to vector<1024xi32>
    %broadcast_in_dim3A_117 = vector.shape_cast %reduce_sum3A_116 : vector<1024xi32> to vector<1024x1xi32>
    %iota3A_118 = tpu.iota {dimensions = array<i32: 1>} : vector<1024x512xi32>
    %eq3A_119 = vector.broadcast %broadcast_in_dim3A_117 : vector<1024x1xi32> to vector<1024x512xi32>
    %eq3A_120 = arith.cmpi eq, %eq3A_119, %iota3A_118 : vector<1024x512xi32>
    %convert_element_type3A = arith.extui %eq3A_120 : vector<1024x512xi1> to vector<1024x512xi32>
    %convert_element_type3A_121 = arith.sitofp %convert_element_type3A : vector<1024x512xi32> to vector<1024x512xf32>
    %convert_element_type3A_122 = arith.truncf %convert_element_type3A_121 : vector<1024x512xf32> to vector<1024x512xbf16>
    %get3A_123 = arith.constant 0 : index
    %get3A_124 = arith.constant 0 : index
    %get3A_125 = vector.load %arg3[%get3A_123, %get3A_124] : memref<512x128xbf16, #tpu.memory_space<vmem>>, vector<512x128xbf16>
    %dot_general3A = arith.constant dense<0.000000e+00> : vector<1024x128xf32>
    %dot_general3A_126 = tpu.matmul %convert_element_type3A_122, %get3A_125, %dot_general3A {dimension_numbers = #tpu.dot_dimension_numbers<[1], [0], [0], [1], [0, 0, 1, 1], [], []>, transpose_lhs_hint = false} : vector<1024x512xbf16>, vector<512x128xbf16>, vector<1024x128xf32> -> vector<1024x128xf32>
    %get3A_127 = arith.constant 0 : index
    %get3A_128 = arith.constant 0 : index
    %get3A_129 = vector.load %arg4[%get3A_127, %get3A_128] : memref<1024x128xf32, #tpu.memory_space<vmem>>, vector<1024x128xf32>
    %add3A_130 = arith.addf %get3A_129, %dot_general3A_126 : vector<1024x128xf32>
    %swap3A = arith.constant 0 : index
    %swap3A_131 = arith.constant 0 : index
    %swap3A_132 = vector.load %arg5[%swap3A, %swap3A_131] : memref<1024x128xf32, #tpu.memory_space<vmem>>, vector<1024x128xf32>
    tpu.vector_store %arg5[%swap3A, %swap3A_131], %add3A_130 {strides = array<i32>} : memref<1024x128xf32, #tpu.memory_space<vmem>>, vector<1024x128xf32>,
    return
  }
  func.func @transform_0(%arg0: i32) -> (i32, i32, i32) {
    %c0_i32 = arith.constant 0 : i32
    %c0_i32_0 = arith.constant 0 : i32
    %c0_i32_1 = arith.constant 0 : i32
    return %arg0, %c0_i32, %c0_i32_0 : i32, i32, i32
  }
  func.func @transform_1(%arg0: i32) -> (i32, i32, i32) {
    %c0_i32 = arith.constant 0 : i32
    %c0_i32_0 = arith.constant 0 : i32
    %c0_i32_1 = arith.constant 0 : i32
    return %arg0, %c0_i32, %c0_i32_0 : i32, i32, i32
  }
  func.func @transform_2(%arg0: i32) -> (i32, i32) {
    %c0_i32 = arith.constant 0 : i32
    %c0_i32_0 = arith.constant 0 : i32
    %c0_i32_1 = arith.constant 0 : i32
    return %c0_i32, %c0_i32_0 : i32, i32
  }
  func.func @transform_3(%arg0: i32) -> (i32, i32) {
    %c0_i32 = arith.constant 0 : i32
    %c0_i32_0 = arith.constant 0 : i32
    return %arg0, %c0_i32 : i32, i32
  }
  func.func @transform_4(%arg0: i32) -> (i32, i32) {
    %c0_i32 = arith.constant 0 : i32
    %c0_i32_0 = arith.constant 0 : i32
    return %arg0, %c0_i32 : i32, i32
  }
}

</mosaic_0001>

<sc_bundles>
// kernel: kernel.4.cloned.1.call-start
scs
__scs_entry_jumppad:
0x0: {  	(pc) =	sbr.rel $0x88, $3  }
0x1: {  	(tag) =	ssettag $0x0;
	lr =	simm.s32 $0x1  }
0x2: {  	[smem:$0x3F9E] =	sst lr;
	_ =	strace $0xD0000000  }
0x3: {  	_ = 	snop  }
0x4: {  	_ = 	snop  }
0x5: {  	_ = 	snop  }
0x6: {  	_ = 	snop  }
0x7: {  	_ = 	snop  }
__scs_overlays_trampoline_lowered:
0x8: {  	[smem:$0x3FAD] =	sst s0  }
0x9: {  	[smem:$0x3FAE] =	sst s1  }
0xa: {  	[smem:$0x3FAF] =	sst s2  }
0xb: {  	[smem:$0x3FB0] =	sst s3  }
0xc: {  	[smem:$0x3FB1] =	sst s4  }
0xd: {  	[smem:$0x3FB2] =	sst s5  }
0xe: {  	[smem:$0x3FB3] =	sst s6  }
0xf: {  	[smem:$0x3FB4] =	sst s7  }
0x10: {  	[smem:$0x3FB5] =	sst s8  }
0x11: {  	[smem:$0x3FB6] =	sst s9;
	s0 =	simm.s32 @!p0 $0x0  }
0x12: {  	s1 =	sld [smem:$0x3F9C];
	s0 =	simm.s32 @p0 $0x1  }
0x13: {  	[smem:$0x3FB7] =	sst s0;
	s0 =	simm.s32 @!p1 $0x0  }
0x14: {  	s2 =	sld [smem:$0x3F9B];
	s0 =	simm.s32 @p1 $0x1  }
0x15: {  	[smem:$0x3FB8] =	sst s0;
	s0 =	simm.s32 @!p2 $0x0  }
0x16: {  	s3 =	sld [smem:$0x3FDB];
	s0 =	simm.s32 @p2 $0x1  }
0x17: {  	s4 =	simm.s32 $0x1BF5;
	[smem:$0x3FBA] =	sst s0  }
0x18: {  	s0 =	sld [smem:$0x3F9D];
	_ =	swait.ge [sflag:s4], $0x0  }
0x19: {  	s7 =	sld [smem:$0x3F9E]  }
0x1a: {  	s8 =	sadd.s32 $0xFFFFE003, lr  }
0x1b: {  	s9 =	sadd.s32 $0xFFFFFEF7, lr;
	s5 =	simm.s32 $0xFFFFFFFF;
	p2 =	slt.u32 s8, $0xFFFFF086  }
0x1c: {  	p1 =	slt.u32 s9, $0xF7A;
	s5 =	simm.s32 @!p2 $0x0  }
0x1d: {  	s5 =	simm.s32 @p1 $0x1;
	p0 =	seq.s32 s7, s2  }
0x1e: {  	s7 =	smul.u32 @!p0 $0xF7A, s2;
	p2 =	seq.s32 @!p0 s5, $0x0  }
0x1f: {  	s9 =	smul.u32 $0xF7A, s1;
	s8 =	simm.s32 @!p0 $0x1BF5;
	p2 =	por !p2, p0  }
0x20: {  	[sflag:s8] =	ssyncset.s32 @!p0 $0xFFFFF086;
	s6 =	sadd.s32 @!p0 s3, s7;
	s7 =	simm.s32 @!p0 $0x108  }
0x21: {  	s3 =	sadd.s32 s3, s9;
	s6 =	sadd.s32 @!p0 $0x88, s6;
	s7 =	simm.s32 @p2 $0x1082  }
0x22: {  	[simem:s7], [sflag:s8] =	dma.local @!p0 [hbm:s6], $0xF7A  }
0x23: {  	s9 =	sor.u32 $0xD0000000, s2;
	s6 =	simm.s32 $0x108;
	_ =	swait.ge @!p0 [sflag:s8], $0x0  }
0x24: {  	s3 =	sadd.s32 $0x88, s3;
	s6 =	simm.s32 @!p1 $0x1082;
	[sflag:s4] =	ssyncset.s32 $0xFFFFF086  }
0x25: {  	[simem:s6], [sflag:s4] =	dma.local [hbm:s3], $0xF7A  }
0x26: {  	[smem:$0x3F9E] =	sst s1;
	(tag) =	ssettag s2;
	_ =	strace s9  }
0x27: {  	s1 =	sld [smem:$0x3FAE]  }
0x28: {  	s2 =	sld [smem:$0x3FAF]  }
0x29: {  	s4 =	sld [smem:$0x3FB1]  }
0x2a: {  	p0 =	seq.s32 s5, $0x0;
	s5 =	sld [smem:$0x3FB2]  }
0x2b: {  	s6 =	sld [smem:$0x3FB3]  }
0x2c: {  	s7 =	sld [smem:$0x3FB4]  }
0x2d: {  	s3 =	simm.s32 $0x108;
	s8 =	sld [smem:$0x3FB5]  }
0x2e: {  	s3 =	simm.s32 @!p0 $0x1082;
	s9 =	sld [smem:$0x3FB6]  }
0x2f: {  	lr =	sadd.s32 s0, s3;
	s0 =	sld [smem:$0x3FAD]  }
0x30: {  	s3 =	sld [smem:$0x3FB0]  }
0x31: {  	[smem:$0x3FB9] =	sst s10  }
0x32: {  	s10 =	sld [smem:$0x3FB7];
	_ =	sdelay $0x3  }
0x33: {  	p0 =	seq.s32 s10, $0x1;
	s10 =	sld [smem:$0x3FB9];
	_ =	sdelay $0x3  }
0x34: {  	[smem:$0x3FB9] =	sst s10  }
0x35: {  	s10 =	sld [smem:$0x3FB8];
	_ =	sdelay $0x3  }
0x36: {  	p1 =	seq.s32 s10, $0x1;
	s10 =	sld [smem:$0x3FB9];
	_ =	sdelay $0x3  }
0x37: {  	[smem:$0x3FB9] =	sst s10  }
0x38: {  	s10 =	sld [smem:$0x3FBA]  }
0x39: {  	_ = 	snop;
	(pc) =	sbr.ind lr, $3  }
0x3a: {  	_ = 	snop  }
0x3b: {  	_ = 	snop  }
0x3c: {  	p2 =	seq.s32 s10, $0x1;
	s10 =	sld [smem:$0x3FB9]  }
0x3d: {  	_ =	shalt  }
0x3e: {  	_ =	shalt  }
0x3f: {  	_ =	shalt  }
0x40: {  	_ =	shalt  }
0x41: {  	_ =	shalt  }
0x42: {  	_ =	shalt  }
0x43: {  	_ =	shalt  }
0x44: {  	_ =	shalt  }
0x45: {  	_ =	shalt  }
0x46: {  	_ =	shalt  }
0x47: {  	_ =	shalt  }
0x48: {  	_ =	shalt  }
0x49: {  	_ =	shalt  }
0x4a: {  	_ =	shalt  }
0x4b: {  	_ =	shalt  }
0x4c: {  	_ =	shalt  }
0x4d: {  	_ =	shalt  }
0x4e: {  	_ =	shalt  }
0x4f: {  	_ =	shalt  }
0x50: {  	_ =	shalt  }
0x51: {  	_ =	shalt  }
0x52: {  	_ =	shalt  }
0x53: {  	_ =	shalt  }
0x54: {  	_ =	shalt  }
0x55: {  	_ =	shalt  }
0x56: {  	_ =	shalt  }
0x57: {  	_ =	shalt  }
0x58: {  	_ =	shalt  }
0x59: {  	_ =	shalt  }
0x5a: {  	_ =	shalt  }
0x5b: {  	_ =	shalt  }
0x5c: {  	_ =	shalt  }
0x5d: {  	_ =	shalt  }
0x5e: {  	_ =	shalt  }
0x5f: {  	_ =	shalt  }
0x60: {  	_ =	shalt  }
0x61: {  	_ =	shalt  }
0x62: {  	_ =	shalt  }
0x63: {  	_ =	shalt  }
0x64: {  	_ =	shalt  }
0x65: {  	_ =	shalt  }
0x66: {  	_ =	shalt  }
0x67: {  	_ =	shalt  }
0x68: {  	_ =	shalt  }
0x69: {  	_ =	shalt  }
0x6a: {  	_ =	shalt  }
0x6b: {  	_ =	shalt  }
0x6c: {  	_ =	shalt  }
0x6d: {  	_ =	shalt  }
0x6e: {  	_ =	shalt  }
0x6f: {  	_ =	shalt  }
0x70: {  	_ =	shalt  }
0x71: {  	_ =	shalt  }
0x72: {  	_ =	shalt  }
0x73: {  	_ =	shalt  }
0x74: {  	_ =	shalt  }
0x75: {  	_ =	shalt  }
0x76: {  	_ =	shalt  }
0x77: {  	_ =	shalt  }
0x78: {  	_ =	shalt  }
0x79: {  	_ =	shalt  }
0x7a: {  	_ =	shalt  }
0x7b: {  	_ =	shalt  }
0x7c: {  	_ =	shalt  }
0x7d: {  	_ =	shalt  }
0x7e: {  	_ =	shalt  }
0x7f: {  	_ =	shalt  }
0x80: {  	_ =	shalt  }
0x81: {  	_ =	shalt  }
0x82: {  	_ =	shalt  }
0x83: {  	_ =	shalt  }
0x84: {  	_ =	shalt  }
0x85: {  	_ =	shalt  }
0x86: {  	_ =	shalt  }
0x87: {  	_ =	shalt  }
.Lfunc_end0:
.L_simem_size_0:
called_computation_lowered:
.L_overlay_start_0:
0x88: {  	s2 =	sld [smem:$0x3FD9]  }
0x89: {  	s3 =	sld [smem:$0x3FFE];
	_ =	sdelay $0x1  }
0x8a: {  	s1 =	srdreg.scid  }
0x8b: {  	s0 =	sand.u32 $0x1, s1  }
0x8c: {  	s17 =	sshll.u32 s0, $0xA;
	s2 =	sadd.s32 s3, s2  }
0x8d: {  	s2 =	sadd.s32 s2, s17  }
0x8e: {  	[smem:$0x3FC5] =	sst s2  }
0x8f: {  	_ = 	snop  }
0x90: {  	s2 =	sld [smem:$0x3FC8]  }
0x91: {  	s18 =	sld [smem:$0x3FD0];
	(tm) =	ssettm $0x1  }
0x92: {  	s4 =	sld [smem:$0x3FFB];
	_ =	sdelay $0x3  }
0x93: {  	_ =	strace s4  }
0x94: {  	s4 =	sld [smem:$0x3FFC];
	_ =	sdelay $0x3  }
0x95: {  	_ =	strace s4  }
0x96: {  	s4 =	sld [smem:$0x3FFD];
	_ =	sdelay $0x3  }
0x97: {  	_ =	strace s4  }
0x98: {  	_ =	strace $0x8FFFFFFF  }
0x99: {  	s19 =	sld [smem:$0x3FDB];
	_ =	sdelay $0x1  }
0x9a: {  	s5 =	simm.s32 $_scs_section_size  }
0x9b: {  	s6 =	simm.s32 $_size__tile_overlayer_lowered;
	s7 =	simm.s32 $_tile_overlayer_lowered  }
0x9c: {  	s22 =	simm.s32 $0x1BFF;
	s21 =	sshll.u32 s7, $0x1;
	s4 =	sadd.s32 s5, s19  }
0x9d: {  	s8 =	simm.s32 $0x0;
	s20 =	sshll.u32 s6, $0x1;
	s6 =	sadd.s32 s21, s4  }
0x9e: {  	[timem:s8], [sflag:s22] =	dma.local [hbm:s6], s20  }
0x9f: {  	_ =	swait.ge [sflag:s22], s20  }
0xa0: {  	s5 =	ssub.s32 $0x0, s20;
	[sflag:s22] =	ssyncset.done $0x0  }
0xa1: {  	[sflag:s22] =	ssyncadd.s32 s5;
	_ =	sdelay $0x1  }
0xa2: {  	s23 =	simm.s32 $0x1B8B  }
0xa3: {  	_ =	swait.ge [sflag:s23], $0x1  }
0xa4: {  	[sflag:s23] =	ssyncset.done $0x0  }
0xa5: {  	s25 =	simm.s32 $0x1B8E;
	s24 =	sld [smem:$0x3FFE];
	[sflag:s23] =	ssyncadd.s32 $0xFFFFFFFF  }
0xa6: {  	s26 =	simm.s32 $execute0_lowered;
	[smem:$0x3FD2] =	sst s25  }
0xa7: {  	s6 =	sshll.u32 s26, $0x1;
	_ =	strace $0x80000046;
	[dreg:$0x1] =	wrdreg $0xFFFFFFFF  }
0xa8: {  	s28 =	simm.s32 $_size_execute0_lowered;
	s4 =	sadd.s32 s4, s6;
	[dreg:$0x0] =	wrdreg $0x0  }
0xa9: {  	s6 =	sshll.u32 s28, $0x1;
	[dreg:$0x2] =	wrdreg s4  }
0xaa: {  	[dreg:$0x3] =	wrdreg s6  }
0xab: {  	[dreg:$0x4] =	wrdreg $0xC0  }
0xac: {  	_ =	task [dreg:s8], $0x5FFFF  }
0xad: {  	[dreg:$0x1] =	wrdreg $0xFFFFFFFF  }
0xae: {  	[dreg:$0x0] =	wrdreg $0x60  }
0xaf: {  	[dreg:$0x2] =	wrdreg s2  }
0xb0: {  	[dreg:$0x3] =	wrdreg s18  }
0xb1: {  	[dreg:$0x4] =	wrdreg s24  }
0xb2: {  	[dreg:$0x5] =	wrdreg $0x52000  }
0xb3: {  	[dreg:$0x6] =	wrdreg $0x9  }
0xb4: {  	_ =	task.clear_ibuf [dreg:s8], $0x7FFFF;
	_ =	strace $0x90000046  }
0xb5: {  	s29 =	simm.s32 $0x9;
	_ =	strace $0x80000048  }
0xb6: {  	_ =	swait.ge [sflag:s29], $0x1  }
0xb7: {  	[sflag:s29] =	ssyncadd.s32 $0xFFFFFFFF  }
0xb8: {  	_ =	strace $0x90000048  }
0xb9: {  	_ =	sfence  }
0xba: {  	s30 =	sld [smem:$0x0];
	_ =	sdelay $0x2  }
0xbb: {  	s31 =	sshll.u32 s1, $0xD;
	s1 =	sshrl.u32 s1, $0x2  }
0xbc: {  	s3 =	sand.u32 $0x4000, s31;
	s1 =	sadd.s32 s1, s30  }
0xbd: {  	s0 =	sor.u32 s3, s0;
	s1 =	sshll.u32 s1, $0x11  }
0xbe: {  	s0 =	sor.u32 s1, s0  }
0xbf: {  	s0 =	sadd.s32 $0x8F2B, s0  }
0xc0: {  	[sflag:s0] =	ssyncadd.remote.s32 $0x1  }
0xc1: {  	_ =	sfence.sel $0xFFFF  }
0xc2: {  	[dreg:$0x0] =	wrdreg $0xFFFFFFFF;
	(pc) =	sbr.abs _section_cstart, $3  }
0xc3: {  	[dreg:$0x1] =	wrdreg $0xFFFFFFFF  }
0xc4: {  	_ =	task.clear_ibuf [dreg:s8], $0x2FFFF;
	_ =	strace $0x9FFFFFFF  }
0xc5: {  	(tm) =	ssettm $0x7FFFFFFF  }
tec
execute0_lowered:
.L_overlay_start_1:
0x0: {  	(tag) =	ssettag $0x1  }
0x1: {  	s4 =	rddreg [dreg:$0x0]  }
0x2: {  	s8 =	rddreg [dreg:$0x1]  }
0x3: {  	s5 =	rddreg [dreg:$0x2]  }
0x4: {  	s0 =	srdreg.scid;
	s2 =	rddreg [dreg:$0x3]  }
0x5: {  	s3 =	simm.s32 $0x0;
	s14 =	simm.s32 $0x2;
	s15 =	simm.s32 $0x0  }
0x6: {  	s7 =	sand.u32 $0x1, s0;
	s0 =	stileid.u32;
	[smem:$0x7FF] =	sst s3  }
0x7: {  	s13 =	sadd.s32 $0x1000, s5;
	s1 =	sshll.u32 s7, $0x4;
	s11 =	ssub.s32 $0x2, s7  }
0x8: {  	s12 =	smul.u32 $0x280, s0;
	p0 =	seq.s32 s7, $0x1;
	s9 =	sor.u32 s0, s1  }
0x9: {  	s1 =	rddreg [dreg:$0x4];
	_ =	strace $0x80000047;
	s30 =	sshrl.u32 s11, $0x1  }
0xa: {  	s8 =	smov.u32 @p0 s13;
	s13 =	simm.s32 $0x4F00;
	s6 =	smul.u32 $0x4E, s9  }
0xb: {  	s10 =	smin.u32 s9, $0x4;
	s31 =	sshrl.u32 s12, $0x3;
	p0 =	sgt.u32 s9, $0x3  }
0xc: {  	s9 =	simm.s32 $0x4F80;
	s8 =	sadd.s32 s8, s31;
	s6 =	sadd.s32 s10, s6  }
0xd: {  	s10 =	ssub.s32 s11, s30;
	s11 =	simm.s32 $0x1;
	s6 =	sshll.u32 s6, $0x5  }
0xe: {  	s7 =	smax.u32 s10, $0x1;
	s10 =	simm.s32 $0x3;
	s4 =	sadd.s32 s4, s6  }
0xf: {  	v0 =	vimm.s32 $0x1;
	v1 =	vimm.s32 $0x0;
	s6 =	sadd.s32 s12, s2;
	s12 =	simm.s32 $0x40;
	s5 =	sadd.s32 $0x9C0, s4  }
.LBB2_1:
0x10: {  	[tilespmem:s3], [sflag:$0x1] =	stream.linear.gather [hbm4b:s4+s3], $0x4E00, $0x38;
	[tilespmem:$0x5480] =	vst v63  }
0x11: {  	s16 =	simm.s32 @!p0 $0x0;
	s17 =	simm.s32 @!p0 $0x4E00  }
0x12: {  	[tilespmem:s17], [sflag:$0x1] =	stream.linear.gather @!p0 [hbm4b:s5+s16], $0x100, $0x38;
	[tilespmem:$0x5480] =	vst v63  }
0x13: {  	[tilespmem:$0x4F00] =	vst v0  }
0x14: {  	[tilespmem:$0x4F10] =	vst v0  }
0x15: {  	[tilespmem:$0x4F20] =	vst v0  }
0x16: {  	[tilespmem:$0x4F30] =	vst v0  }
0x17: {  	[tilespmem:$0x4F80] =	vst v1  }
0x18: {  	[tilespmem:$0x4F90] =	vst v1  }
0x19: {  	[tilespmem:$0x4FA0] =	vst v1  }
0x1a: {  	[tilespmem:$0x4FB0] =	vst v1  }
0x1b: {  	[tilespmem:$0x4FC0] =	vst v1  }
0x1c: {  	[tilespmem:$0x4FD0] =	vst v1  }
0x1d: {  	[tilespmem:$0x4FE0] =	vst v1  }
0x1e: {  	[tilespmem:$0x4FF0] =	vst v1  }
0x1f: {  	[tilespmem:$0x5000] =	vst v1  }
0x20: {  	[tilespmem:$0x5010] =	vst v1  }
0x21: {  	[tilespmem:$0x5020] =	vst v1  }
0x22: {  	[tilespmem:$0x5030] =	vst v1  }
0x23: {  	[tilespmem:$0x5040] =	vst v1  }
0x24: {  	[tilespmem:$0x5050] =	vst v1  }
0x25: {  	[tilespmem:$0x5060] =	vst v1  }
0x26: {  	[tilespmem:$0x5070] =	vst v1  }
0x27: {  	[tilespmem:$0x5080] =	vst v1  }
0x28: {  	[tilespmem:$0x5090] =	vst v1  }
0x29: {  	[tilespmem:$0x50A0] =	vst v1  }
0x2a: {  	[tilespmem:$0x50B0] =	vst v1  }
0x2b: {  	[tilespmem:$0x50C0] =	vst v1  }
0x2c: {  	[tilespmem:$0x50D0] =	vst v1  }
0x2d: {  	[tilespmem:$0x50E0] =	vst v1  }
0x2e: {  	[tilespmem:$0x50F0] =	vst v1  }
0x2f: {  	[tilespmem:$0x5100] =	vst v1  }
0x30: {  	[tilespmem:$0x5110] =	vst v1  }
0x31: {  	[tilespmem:$0x5120] =	vst v1  }
0x32: {  	[tilespmem:$0x5130] =	vst v1  }
0x33: {  	[tilespmem:$0x5140] =	vst v1  }
0x34: {  	[tilespmem:$0x5150] =	vst v1  }
0x35: {  	[tilespmem:$0x5160] =	vst v1  }
0x36: {  	[tilespmem:$0x5170] =	vst v1  }
0x37: {  	[tilespmem:$0x5180] =	vst v1  }
0x38: {  	[tilespmem:$0x5190] =	vst v1  }
0x39: {  	[tilespmem:$0x51A0] =	vst v1  }
0x3a: {  	[tilespmem:$0x51B0] =	vst v1  }
0x3b: {  	[tilespmem:$0x51C0] =	vst v1  }
0x3c: {  	[tilespmem:$0x51D0] =	vst v1  }
0x3d: {  	[tilespmem:$0x51E0] =	vst v1  }
0x3e: {  	[tilespmem:$0x51F0] =	vst v1  }
0x3f: {  	[spmem:s6] =	stream.linear.scatter [tilespmem:s9], [sflag:$0x3], $0x280, $0x38;
	[tilespmem:$0x5480] =	vst v63  }
0x40: {  	_ =	swait.ge [sflag:s10], $0x280  }
0x41: {  	[sflag:s10] =	ssyncset.done $0x0  }
0x42: {  	[sflag:s10] =	ssyncadd.s32 $0xFFFFFD80  }
0x43: {  	_ =	swait.ge [sflag:s11], $0x4E00  }
0x44: {  	[sflag:s11] =	ssyncset.done $0x0  }
0x45: {  	s16 =	simm.s32 @!p0 $0x1;
	[sflag:s11] =	ssyncadd.s32 $0xFFFFB200  }
0x46: {  	_ =	swait.ge @!p0 [sflag:s16], $0x100  }
0x47: {  	s30 =	sand.u32 $0x40, s3;
	s31 =	sand.u32 $0x7F00, s3;
	[sflag:s16] =	ssyncset.done @!p0 $0x0  }
0x48: {  	p1 =	por $0x1, $0x1;
	s18 =	simm.s32 $0x40;
	[sflag:s16] =	ssyncadd.s32 @!p0 $0xFFFFFF00  }
0x49: {  	s19 =	simm.s32 @!p1 $0x2;
	s16 =	sor.u32 s30, s31;
	[bflag:$0x0] =	sbarrier.arrive $0xFFFF  }
0x4a: {  	[spmem:s2] =	stream.indirect.scatter.add.s32 [tilespmem:s13], [sflag:$0x2], $0x1, s16, s12, $0xb8;
	[tilespmem:$0x5480] =	vst v63  }
0x4b: {  	s17 =	simm.s32 $0x80;
	s16 =	simm.s32 $0x1;
	_ =	swait.ge @!p1 [sflag:s19], $0x40  }
.LBB2_2:
0x4c: {  	s20 =	sand.u32 $0x40, s18;
	s21 =	sand.u32 $0x7F00, s17  }
0x4d: {  	[sflag:s19] =	ssyncset.done @!p1 $0x0;
	s20 =	sor.u32 s20, s21  }
0x4e: {  	[sflag:s19] =	ssyncadd.s32 @!p1 $0xFFFFFFC0;
	p1 =	slt.u32 s16, $0x10;
	s16 =	sadd.s32 $0x1, s16  }
0x4f: {  	[spmem:s2] =	stream.indirect.scatter.add.s32 [tilespmem:s13], [sflag:$0x2], $0x1, s20, s12, $0xb8;
	[tilespmem:$0x5480] =	vst v63  }
0x50: {  	p2 =	sne.s32 s16, $0x9C  }
.Ltmp0:
0x51: {  	_ = 	snop;
	(pc) =	sbr.rel @p2 .LBB2_2-.Ltmp0, $3  }
0x52: {  	_ =	sdelay $0x1  }
0x53: {  	s19 =	simm.s32 @!p1 $0x2  }
0x54: {  	s17 =	sadd.s32 $0x80, s17;
	s18 =	sadd.s32 $0x40, s18;
	_ =	swait.ge @!p1 [sflag:s19], $0x40  }
0x55: {  	[sflag:s19] =	ssyncset.done @!p1 $0x0;
	s16 =	simm.s32 @!p0 $0x40  }
0x56: {  	s17 =	simm.s32 @!p0 $0x4E00;
	s18 =	simm.s32 @!p0 $0x4F00;
	[sflag:s19] =	ssyncadd.s32 @!p1 $0xFFFFFFC0  }
0x57: {  	[spmem:s2] =	stream.indirect.scatter.add.s32 @!p0 [tilespmem:s18], [sflag:$0x2], $0x1, s17, s16, $0xb8;
	[tilespmem:$0x5480] =	vst v63  }
0x58: {  	s17 =	simm.s32 @!p0 $0x4E40  }
0x59: {  	[spmem:s2] =	stream.indirect.scatter.add.s32 @!p0 [tilespmem:s18], [sflag:$0x2], $0x1, s17, s16, $0xb8;
	[tilespmem:$0x5480] =	vst v63  }
0x5a: {  	s16 =	simm.s32 @!p0 $0x2  }
0x5b: {  	_ =	swait.ge @!p0 [sflag:s16], $0x40  }
0x5c: {  	[sflag:s16] =	ssyncset.done @!p0 $0x0  }
0x5d: {  	[sflag:s16] =	ssyncadd.s32 @!p0 $0xFFFFFFC0  }
0x5e: {  	_ =	swait.ge @!p0 [sflag:s16], $0x40  }
0x5f: {  	[sflag:s16] =	ssyncset.done @!p0 $0x0  }
0x60: {  	[sflag:s16] =	ssyncadd.s32 @!p0 $0xFFFFFFC0  }
0x61: {  	_ =	swait.ge [sflag:s14], $0x40  }
0x62: {  	[sflag:s14] =	ssyncset.done $0x0  }
0x63: {  	[sflag:s14] =	ssyncadd.s32 $0xFFFFFFC0  }
0x64: {  	_ =	swait.ge [sflag:s14], $0x40  }
0x65: {  	[sflag:s14] =	ssyncset.done $0x0  }
0x66: {  	[sflag:s14] =	ssyncadd.s32 $0xFFFFFFC0  }
0x67: {  	_ =	swait.ge [sflag:s14], $0x40  }
0x68: {  	[sflag:s14] =	ssyncset.done $0x0  }
0x69: {  	[sflag:s14] =	ssyncadd.s32 $0xFFFFFFC0  }
0x6a: {  	_ =	swait.ge [sflag:s14], $0x40  }
0x6b: {  	[sflag:s14] =	ssyncset.done $0x0  }
0x6c: {  	[sflag:s14] =	ssyncadd.s32 $0xFFFFFFC0  }
0x6d: {  	_ =	swait.ge [sflag:s14], $0x40  }
0x6e: {  	[sflag:s14] =	ssyncset.done $0x0  }
0x6f: {  	[sflag:s14] =	ssyncadd.s32 $0xFFFFFFC0  }
0x70: {  	_ =	swait.ge [sflag:s14], $0x40  }
0x71: {  	[sflag:s14] =	ssyncset.done $0x0  }
0x72: {  	[sflag:s14] =	ssyncadd.s32 $0xFFFFFFC0  }
0x73: {  	_ =	swait.ge [sflag:s14], $0x40  }
0x74: {  	[sflag:s14] =	ssyncset.done $0x0  }
0x75: {  	[sflag:s14] =	ssyncadd.s32 $0xFFFFFFC0  }
0x76: {  	_ =	swait.ge [sflag:s14], $0x40  }
0x77: {  	[sflag:s14] =	ssyncset.done $0x0  }
0x78: {  	[sflag:s14] =	ssyncadd.s32 $0xFFFFFFC0  }
0x79: {  	_ =	swait.ge [sflag:s14], $0x40  }
0x7a: {  	[sflag:s14] =	ssyncset.done $0x0  }
0x7b: {  	[sflag:s14] =	ssyncadd.s32 $0xFFFFFFC0  }
0x7c: {  	_ =	swait.ge [sflag:s14], $0x40  }
0x7d: {  	[sflag:s14] =	ssyncset.done $0x0  }
0x7e: {  	[sflag:s14] =	ssyncadd.s32 $0xFFFFFFC0  }
0x7f: {  	_ =	swait.ge [sflag:s14], $0x40  }
0x80: {  	[sflag:s14] =	ssyncset.done $0x0  }
0x81: {  	[sflag:s14] =	ssyncadd.s32 $0xFFFFFFC0  }
0x82: {  	_ =	swait.ge [sflag:s14], $0x40  }
0x83: {  	[sflag:s14] =	ssyncset.done $0x0  }
0x84: {  	[sflag:s14] =	ssyncadd.s32 $0xFFFFFFC0  }
0x85: {  	_ =	swait.ge [sflag:s14], $0x40  }
0x86: {  	[sflag:s14] =	ssyncset.done $0x0  }
0x87: {  	[sflag:s14] =	ssyncadd.s32 $0xFFFFFFC0  }
0x88: {  	_ =	swait.ge [sflag:s14], $0x40  }
0x89: {  	[sflag:s14] =	ssyncset.done $0x0  }
0x8a: {  	[sflag:s14] =	ssyncadd.s32 $0xFFFFFFC0  }
0x8b: {  	_ =	swait.ge [sflag:s14], $0x40  }
0x8c: {  	[sflag:s14] =	ssyncset.done $0x0  }
0x8d: {  	[sflag:s14] =	ssyncadd.s32 $0xFFFFFFC0  }
0x8e: {  	_ =	swait.ge [sflag:s14], $0x40  }
0x8f: {  	[sflag:s14] =	ssyncset.done $0x0  }
0x90: {  	[sflag:s14] =	ssyncadd.s32 $0xFFFFFFC0  }
0x91: {  	[bflag:$0x0] =	sbarrier.arrive $0xFFFF  }
0x92: {  	[tilespmem:s9], [sflag:$0x3] =	stream.linear.gather [spmem:s6], $0x280, $0x38;
	[tilespmem:$0x5480] =	vst v63  }
0x93: {  	s15 =	sadd.s32 $0x1, s15;
	_ =	swait.ge [sflag:s10], $0x280  }
0x94: {  	p1 =	sne.s32 s15, s7;
	[sflag:s10] =	ssyncset.done $0x0  }
.Ltmp1:
0x95: {  	[sflag:s10] =	ssyncadd.s32 $0xFFFFFD80;
	(pc) =	sbr.rel @p1 .LBB2_1-.Ltmp1, $4  }
0x96: {  	[hbm4b:s8+s3] =	stream.linear.scatter [tilespmem:s9], [sflag:$0x3], $0x280, $0x38;
	[tilespmem:$0x5480] =	vst v63  }
0x97: {  	_ =	swait.ge [sflag:s10], $0x280  }
0x98: {  	[sflag:s10] =	ssyncset.done $0x0  }
0x99: {  	[sflag:s10] =	ssyncadd.s32 $0xFFFFFD80  }
0x9a: {  	_ =	sfence.sel $0x180000  }
0x9b: {  	[bflag:$0x0] =	sbarrier.arrive $0xFFFF  }
0x9c: {  	p0 =	sne.s32 s0, $0x0;
	_ =	strace $0x90000047  }
0x9d: {  	s0 =	sadd.s32 @!p0 $0x100000, s1;
	[bflag:$0x2] =	sbarrier.arrive $0xFFFF  }
0x9e: {  	[sflag:s0] =	ssyncadd.tile.s32 @!p0 $0x1;
	_ =	shalt  }
.Lfunc_end2:
_tile_overlayer_lowered:
.L_overlay_start_2:
0x9f: {  	(tag) =	ssettag $0x2  }
0xa0: {  	s0 =	rddreg [dreg:$0x0];
	s2 =	stileid.u32  }
0xa1: {  	s1 =	rddreg [dreg:$0x1];
	p0 =	sne.s32 s2, $0x0  }
0xa2: {  	s3 =	rddreg [dreg:$0x2];
	[bflag:$0x3] =	sbarrier.arrive $0xFFFF;
	s2 =	simm.s32 @!p0 $0x1C03  }
0xa3: {  	[timem:s3], [sflag:s2] =	dma.local @!p0 [hbm:s0], s1  }
0xa4: {  	s0 =	simm.s32 @!p0 $0x3  }
0xa5: {  	_ =	swait.ge @!p0 [sflag:s0], s1  }
0xa6: {  	s1 =	ssub.s32 @!p0 $0x0, s1;
	[sflag:s0] =	ssyncset.done @!p0 $0x0  }
0xa7: {  	[sflag:s0] =	ssyncadd.s32 @!p0 s1  }
0xa8: {  	[bflag:$0x3] =	sbarrier.arrive $0xFFFF  }
0xa9: {  	_ =	shalt  }

</sc_bundles>
